<compile_context>
chip_gen: v7x
topology: tpu7x:2x2x1
jax: 0.10.2.dev20260603
libtpu: 0.0.44.dev20260713+nightly
codegen_flags: <defaults>
</compile_context>

<pallas_src>
import jax
import jax.numpy as jnp
from jax import lax
from jax.experimental import pallas as pl
from jax.experimental.pallas import tpu as pltpu
from jax.experimental.pallas import tpu_sc as plsc

N = 10000
NP = 10240
E = 160000
D = 64
DP = 128
NT = 16
EPT_R = E // NT
EPT = 10240
EP = EPT * NT
CH = 64
NCH = EPT // CH
NPT = NP // NT
F32 = jnp.float32
I32 = jnp.int32


def _mm_body(x_ref, w_ref, o_ref):
    o_ref[...] = jnp.dot(x_ref[...], w_ref[...], preferred_element_type=F32)


def _project(x, w1):
    return pl.pallas_call(
        _mm_body,
        grid=(10,),
        in_specs=[
            pl.BlockSpec((N // 10, 256), lambda i: (i, 0)),
            pl.BlockSpec((256, D), lambda i: (0, 0)),
        ],
        out_specs=pl.BlockSpec((N // 10, D), lambda i: (i, 0)),
        out_shape=jax.ShapeDtypeStruct((N, D), F32),
    )(x, w1)


def _rsqrt16(x):
    i = lax.bitcast_convert_type(x, I32)
    i = jnp.full((16,), 0x5F3759DF, I32) - lax.shift_right_logical(i, 1)
    y = lax.bitcast_convert_type(i, F32)
    for _ in range(4):
        y = y * (1.5 - 0.5 * x * y * y)
    return y


def _splat(v, dtype=I32):
    return jnp.full((16,), v, dtype)


_BCAST_DN = lax.GatherDimensionNumbers(
    offset_dims=(), collapsed_slice_dims=(0,), start_index_map=(0,))


def _bcast(v16, lane):
    idx = jnp.full((16,), lane, I32)
    return lax.gather(v16, idx[:, None], _BCAST_DN, (1,),
                      mode=lax.GatherScatterMode.PROMISE_IN_BOUNDS)


def _lanesum(v16):
    iota = lax.iota(I32, 16)
    for sh in (8, 4, 2, 1):
        idx = jnp.bitwise_xor(iota, sh)
        v16 = v16 + lax.gather(v16, idx[:, None], _BCAST_DN, (1,),
                               mode=lax.GatherScatterMode.PROMISE_IN_BOUNDS)
    return v16


def _ka_body(m_hbm, srcw_hbm, dstw_hbm, h_hbm, w_hbm,
             u_hbm, dinv_hbm,
             m_v, hr_v, msg_v, au_v, uu_v, nb_v,
             ds_v, dd_v, si_v, di_v, idn_v, w_v, ps16,
             deg_sh, dinv_sh, agg_sh, psum_sh):
    cid = lax.axis_index("c")

    @pl.when(cid == 0)
    def _core0():
        tid = lax.axis_index("s")
        ebase = tid * EPT
        nbase = tid * NPT
        iota = lax.iota(I32, 16)
        zeros16 = jnp.zeros((16,), F32)

        pltpu.sync_copy(m_hbm.at[pl.ds(ebase, EPT)], m_v)
        pltpu.sync_copy(w_hbm, w_v)

        def _zero_nb(j, c):
            nb_v[pl.ds(j * 16, 16)] = zeros16
            return c
        lax.fori_loop(0, NPT // 16, _zero_nb, 0)
        pltpu.sync_copy(nb_v, deg_sh.at[pl.ds(nbase, NPT)])

        def _zero_msg(r, c):
            def seg2(s, c2):
                msg_v[r, pl.ds(s * 16, 16)] = zeros16
                return c2
            lax.fori_loop(0, D // 16, seg2, 0)
            return c
        lax.fori_loop(0, CH, _zero_msg, 0)

        def _zero_agg(cb, c):
            pltpu.sync_copy(msg_v, agg_sh.at[pl.ds(nbase + cb * CH, CH)])
            return c
        lax.fori_loop(0, NPT // CH, _zero_agg, 0)
        plsc.subcore_barrier()

        def _deg(ch, c):
            pltpu.sync_copy(dstw_hbm.at[tid * NCH + ch], di_v)
            pltpu.sync_copy(m_v.at[pl.ds(ch * CH, CH)],
                            deg_sh.at[di_v], add=True)
            return c
        lax.fori_loop(0, NCH, _deg, 0)
        plsc.subcore_barrier()

        pltpu.sync_copy(deg_sh.at[pl.ds(nbase, NPT)], nb_v)

        def _dinv(j, c):
            s = pl.ds(j * 16, 16)
            nb_v[s] = _rsqrt16(nb_v[s] + 1e-8)
            return c
        lax.fori_loop(0, NPT // 16, _dinv, 0)
        pltpu.sync_copy(nb_v, dinv_sh.at[pl.ds(nbase, NPT)])
        pltpu.sync_copy(nb_v, dinv_hbm.at[pl.ds(nbase, NPT)])
        plsc.subcore_barrier()

        def _agg(ch, c):
            pltpu.sync_copy(srcw_hbm.at[tid * NCH + ch], si_v)
            pltpu.sync_copy(dstw_hbm.at[tid * NCH + ch], di_v)
            pltpu.sync_copy(h_hbm.at[si_v], hr_v)
            pltpu.sync_copy(dinv_sh.at[si_v], ds_v)
            pltpu.sync_copy(dinv_sh.at[di_v], dd_v)

            def _grp(j16, c2):
                sj = pl.ds(j16 * 16, 16)
                s = pl.ds(ch * CH + j16 * 16, 16)
                n16 = ds_v[sj] * m_v[s] * dd_v[sj]

                def _lane(l, c3):
                    nb = _bcast(n16, l)
                    r = j16 * 16 + l

                    def _seg(sg, c4):
                        sl = pl.ds(sg * 16, 16)
                        msg_v[r, sl] = nb * hr_v[r, sl]
                        return c4
                    lax.fori_loop(0, D // 16, _seg, 0)
                    return c3
                lax.fori_loop(0, 16, _lane, 0)
                return c2
            lax.fori_loop(0, CH // 16, _grp, 0)
            pltpu.sync_copy(msg_v, agg_sh.at[di_v], add=True)
            return c
        lax.fori_loop(0, NCH, _agg, 0)
        plsc.subcore_barrier()

        def _u(cb, c):
            def _idn(j, c2):
                idn_v[pl.ds(j * 16, 16)] = iota + _splat(
                    nbase + cb * CH + j * 16)
                return c2
            lax.fori_loop(0, CH // 16, _idn, 0)
            pltpu.sync_copy(agg_sh.at[idn_v], au_v)

            def _row(r, c2):
                def _seg(sg, c3):
                    sl = pl.ds(sg * 16, 16)
                    a = au_v[r, sl]
                    uu_v[r, sl] = jnp.where(a > 0, w_v[sl], 0.0)
                    return c3
                lax.fori_loop(0, D // 16, _seg, 0)

                def _segz(sg, c3):
                    uu_v[r, pl.ds(D + sg * 16, 16)] = zeros16
                    return c3
                lax.fori_loop(0, (DP - D) // 16, _segz, 0)
                return c2
            lax.fori_loop(0, CH, _row, 0)
            pltpu.sync_copy(uu_v, u_hbm.at[pl.ds(nbase + cb * CH, CH)])
            return c
        lax.fori_loop(0, NPT // CH, _u, 0)


def _kb_body(m_hbm, srcw_hbm, dstw_hbm, h_hbm, u_in, dinv_in, par_hbm,
             out_hbm,
             m_v, cbuf, hr_v, ur_v, nb_v, dslice_v,
             ds_v, dd_v, gb_v, pd_v, ps_v, si_v, di_v, par_v, ps16,
             psall_v,
             dinv_sh, r_sh, t_sh, psum_sh):
    cid = lax.axis_index("c")

    @pl.when(cid == 0)
    def _core0():
        tid = lax.axis_index("s")
        ebase = tid * EPT
        nbase = tid * NPT
        iota = lax.iota(I32, 16)
        zeros16 = jnp.zeros((16,), F32)

        pltpu.sync_copy(m_hbm.at[pl.ds(ebase, EPT)], m_v)
        pltpu.sync_copy(par_hbm, par_v)
        pltpu.sync_copy(dinv_in.at[pl.ds(nbase, NPT)], nb_v)
        pltpu.sync_copy(nb_v, dinv_sh.at[pl.ds(nbase, NPT)])

        def _cp_d(j, c):
            s = pl.ds(j * 16, 16)
            dslice_v[s] = nb_v[s]
            return c
        lax.fori_loop(0, NPT // 16, _cp_d, 0)

        def _zero_nb(j, c):
            nb_v[pl.ds(j * 16, 16)] = zeros16
            return c
        lax.fori_loop(0, NPT // 16, _zero_nb, 0)
        pltpu.sync_copy(nb_v, r_sh.at[pl.ds(nbase, NPT)])

        acc = lax.fori_loop(
            0, EPT // 16,
            lambda j, a: a + m_v[pl.ds(j * 16, 16)],
            jnp.zeros((16,), F32))
        ps16[...] = acc
        pltpu.sync_copy(ps16, psum_sh.at[pl.ds(tid * 16, 16)])
        plsc.subcore_barrier()

        pltpu.sync_copy(psum_sh, psall_v)
        acc2 = lax.fori_loop(
            0, NT,
            lambda j, a: a + psall_v[pl.ds(j * 16, 16)],
            jnp.zeros((16,), F32))
        ssum = _lanesum(acc2)

        def _cphase(ch, c):
            pltpu.sync_copy(srcw_hbm.at[tid * NCH + ch], si_v)
            pltpu.sync_copy(dstw_hbm.at[tid * NCH + ch], di_v)
            pltpu.sync_copy(h_hbm.at[si_v], hr_v)
            pltpu.sync_copy(u_in.at[di_v], ur_v)
            pltpu.sync_copy(dinv_sh.at[si_v], ds_v)
            pltpu.sync_copy(dinv_sh.at[di_v], dd_v)

            def _rows(j16, c2):
                def _edge(l, cacc):
                    r = j16 * 16 + l
                    part = jnp.zeros((16,), F32)
                    for sg in range(D // 16):
                        sl = pl.ds(sg * 16, 16)
                        part = part + hr_v[r, sl] * ur_v[r, sl]
                    dall = _lanesum(part)
                    return jnp.where(iota == l, dall, cacc)
                c16 = lax.fori_loop(0, 16, _edge, jnp.zeros((16,), F32))
                s = pl.ds(ch * CH + j16 * 16, 16)
                cbuf[s] = c16
                p16 = c16 * m_v[s]
                sj = pl.ds(j16 * 16, 16)
                pd_v[sj] = p16 * dd_v[sj]
                ps_v[sj] = p16 * ds_v[sj]
                return c2
            lax.fori_loop(0, CH // 16, _rows, 0)
            pltpu.sync_copy(pd_v, r_sh.at[si_v], add=True)
            pltpu.sync_copy(ps_v, r_sh.at[di_v], add=True)
            return c
        lax.fori_loop(0, NCH, _cphase, 0)
        plsc.subcore_barrier()

        pltpu.sync_copy(r_sh.at[pl.ds(nbase, NPT)], nb_v)

        def _t(j, c):
            s = pl.ds(j * 16, 16)
            d16 = dslice_v[s]
            nb_v[s] = -0.5 * d16 * d16 * d16 * nb_v[s]
            return c
        lax.fori_loop(0, NPT // 16, _t, 0)
        pltpu.sync_copy(nb_v, t_sh.at[pl.ds(nbase, NPT)])
        plsc.subcore_barrier()

        anc = par_v[pl.ds(0, 16)]
        gb16 = 2.0 * (anc - ssum)

        def _upd(ch, c):
            pltpu.sync_copy(srcw_hbm.at[tid * NCH + ch], si_v)
            pltpu.sync_copy(dstw_hbm.at[tid * NCH + ch], di_v)
            pltpu.sync_copy(t_sh.at[di_v], gb_v)
            pltpu.sync_copy(dinv_sh.at[si_v], ds_v)
            pltpu.sync_copy(dinv_sh.at[di_v], dd_v)

            def _grp(j16, c2):
                sj = pl.ds(j16 * 16, 16)
                s = pl.ds(ch * CH + j16 * 16, 16)
                g16 = (cbuf[s] * ds_v[sj] * dd_v[sj]
                       + gb_v[sj] + gb16)
                m_v[s] = jnp.clip(m_v[s] + 0.005 * g16, 0.0, 1.0)
                return c2
            lax.fori_loop(0, CH // 16, _grp, 0)
            return c
        lax.fori_loop(0, NCH, _upd, 0)

        def _padz(j, c):
            m_v[pl.ds(j * 16, 16)] = zeros16
            return c
        lax.fori_loop(EPT_R // 16, EPT // 16, _padz, 0)
        pltpu.sync_copy(m_v, out_hbm.at[pl.ds(ebase, EPT)])


_SC_MESH = plsc.VectorSubcoreMesh(core_axis_name="c", subcore_axis_name="s")

_sc_a = pl.kernel(
    _ka_body,
    out_type=(jax.ShapeDtypeStruct((NP, DP), F32),
              jax.ShapeDtypeStruct((NP,), F32)),
    mesh=_SC_MESH,
    scratch_types=[
        pltpu.VMEM((EPT,), F32),
        pltpu.VMEM((CH, DP), F32),
        pltpu.VMEM((CH, D), F32),
        pltpu.VMEM((CH, D), F32),
        pltpu.VMEM((CH, DP), F32),
        pltpu.VMEM((NPT,), F32),
        pltpu.VMEM((CH,), F32),
        pltpu.VMEM((CH,), F32),
        pltpu.VMEM((CH,), I32),
        pltpu.VMEM((CH,), I32),
        pltpu.VMEM((CH,), I32),
        pltpu.VMEM((D,), F32),
        pltpu.VMEM((16,), F32),
        pltpu.VMEM_SHARED((NP,), F32),
        pltpu.VMEM_SHARED((NP,), F32),
        pltpu.VMEM_SHARED((NP, D), F32),
        pltpu.VMEM_SHARED((256,), F32),
    ],
)

_sc_b = pl.kernel(
    _kb_body,
    out_type=jax.ShapeDtypeStruct((EP,), F32),
    mesh=_SC_MESH,
    scratch_types=[
        pltpu.VMEM((EPT,), F32),
        pltpu.VMEM((EPT,), F32),
        pltpu.VMEM((CH, DP), F32),
        pltpu.VMEM((CH, DP), F32),
        pltpu.VMEM((NPT,), F32),
        pltpu.VMEM((NPT,), F32),
        pltpu.VMEM((CH,), F32),
        pltpu.VMEM((CH,), F32),
        pltpu.VMEM((CH,), F32),
        pltpu.VMEM((CH,), F32),
        pltpu.VMEM((CH,), F32),
        pltpu.VMEM((CH,), I32),
        pltpu.VMEM((CH,), I32),
        pltpu.VMEM((16,), F32),
        pltpu.VMEM((16,), F32),
        pltpu.VMEM((256,), F32),
        pltpu.VMEM_SHARED((NP,), F32),
        pltpu.VMEM_SHARED((NP,), F32),
        pltpu.VMEM_SHARED((NP,), F32),
        pltpu.VMEM_SHARED((256,), F32),
    ],
)


def kernel(x, edge_index, W1, lin_W, lin_b, nodes, target_label, steps):
    h = _project(x, W1)
    h_p = jnp.pad(h, ((0, NP - N), (0, DP - D)))
    label = jnp.asarray(target_label)
    wN = jnp.take(lin_W, label, axis=1).astype(F32) / N
    anchor = jnp.where(label == 0, 9.0, 8.0).astype(F32)
    par = jnp.full((16,), anchor, F32)

    src = edge_index[0].astype(I32).reshape(NT, EPT_R)
    dst = edge_index[1].astype(I32).reshape(NT, EPT_R)
    pad = ((0, 0), (0, EPT - EPT_R))
    src_p = jnp.pad(src, pad, constant_values=NP - 1)
    dst_p = jnp.pad(dst, pad, constant_values=NP - 1)
    srcw = src_p.reshape(NT * NCH, CH)
    dstw = dst_p.reshape(NT * NCH, CH)
    m0 = jnp.pad(jnp.full((NT, EPT_R), 0.5, F32), pad).reshape(-1)

    def _step(_, m):
        u, dinv = _sc_a(m, srcw, dstw, h_p, wN)
        return _sc_b(m, srcw, dstw, h_p, u, dinv, par)

    m_fin = lax.fori_loop(0, steps, _step, m0)
    return m_fin.reshape(NT, EPT)[:, :EPT_R].reshape(-1)

# --- scband reference (transcript-rebuilt; emitter-appended) ---
"""Pipeline reference for scband-dreamer-77781857730850 (READ-ONLY COPY).

The authoritative reference and input builder live on the scoring server;
editing this copy changes nothing except your own understanding.
"""

import jax, jax.numpy as jnp
import numpy as np

N_NODES = 10000
N_EDGES = 160000
D_FEAT = 256
D_HID = 64
N_CLASSES = 2


def setup_inputs(seed: int = 0) -> dict:
    key = jax.random.key(seed)
    k1, k2, k3, k4 = jax.random.split(key, 4)
    x = jax.random.normal(k1, (N_NODES, D_FEAT), dtype=jnp.float32)
    edge_index = jax.random.randint(k2, (2, N_EDGES), 0, N_NODES).astype(jnp.int32)
    W1 = jax.random.normal(k3, (D_FEAT, D_HID), dtype=jnp.float32) * 0.05
    lin_W = jax.random.normal(k4, (D_HID, N_CLASSES), dtype=jnp.float32) * 0.1
    lin_b = jnp.zeros((N_CLASSES,), dtype=jnp.float32)
    return {
        "x": x,
        "edge_index": edge_index,
        "W1": W1,
        "lin_W": lin_W,
        "lin_b": lin_b,
        "nodes": N_NODES,
        "target_label": 1,
        "steps": 5,
    }


def _gcn_forward(x, edge_index, edge_weight, W1, lin_W, lin_b, nodes):
    # GCNConv with edge weights (symmetric normalization), mean pool (batch all-zeros -> one graph), final lin
    src = edge_index[0]
    dst = edge_index[1]
    deg = jax.ops.segment_sum(edge_weight, dst, num_segments=nodes)
    dinv = jax.lax.rsqrt(deg + 1e-8)
    norm = dinv[src] * edge_weight * dinv[dst]
    h = x @ W1
    msg = norm[:, None] * jnp.take(h, src, axis=0)
    agg = jax.ops.segment_sum(msg, dst, num_segments=nodes)
    h = jax.nn.relu(agg)
    pooled = jnp.mean(h, axis=0, keepdims=True)  # global mean pool, batch = zeros(nodes)
    fc = pooled @ lin_W + lin_b  # 'final_fc' hooked activation
    return fc


def reference(x, edge_index, W1, lin_W, lin_b, nodes, target_label, steps):
    E = edge_index.shape[1]
    n_static = x.shape[0]
    mask = jnp.ones((E,), dtype=jnp.float32) * 0.5 + jnp.zeros((), dtype=jnp.float32) * nodes  # initial edge mask
    anchor = jnp.where(target_label == 0, 9.0, 8.0)

    def loss_fn(m):
        fc = _gcn_forward(x, edge_index, m, W1, lin_W, lin_b, n_static)
        activation_loss = jnp.mean(fc[:, target_label])
        sum_edges = jnp.sum(m)
        away_from_edges = -((anchor - sum_edges) ** 2)
        return activation_loss + away_from_edges

    def _step(_, m):
        g = jax.grad(loss_fn)(m)
        m = m + 0.005 * g  # gradient ascent on the mask, as in torch code
        return jnp.clip(m, 0.0, 1.0)

    mask = jax.lax.fori_loop(0, steps, _step, mask)
    return mask

if __name__ == "__main__":
    import jax
    _d = setup_inputs()
    print(jax.jit(kernel)(*tuple(_d.values())))

</pallas_src>

<mosaic_0001>
#map = affine_map<(d0, d1) -> (0)>
#map1 = affine_map<(d0, d1) -> (0, 0)>
module attributes {stable_mosaic.version = 14 : i64} {
  func.func @_ka_body(%arg0: i32, %arg1: i32, %arg2: memref<163840xf32, #tpu.memory_space<hbm>>, %arg3: memref<2560x64xi32, #tpu.memory_space<hbm>>, %arg4: memref<2560x64xi32, #tpu.memory_space<hbm>>, %arg5: memref<10240x128xf32, #tpu.memory_space<hbm>>, %arg6: memref<64xf32, #tpu.memory_space<hbm>>, %arg7: memref<10240x128xf32, #tpu.memory_space<hbm>>, %arg8: memref<10240xf32, #tpu.memory_space<hbm>>, %arg9: memref<10240xf32, #tpu.memory_space<vmem>>, %arg10: memref<64x128xf32, #tpu.memory_space<vmem>>, %arg11: memref<64x64xf32, #tpu.memory_space<vmem>>, %arg12: memref<64x64xf32, #tpu.memory_space<vmem>>, %arg13: memref<64x128xf32, #tpu.memory_space<vmem>>, %arg14: memref<640xf32, #tpu.memory_space<vmem>>, %arg15: memref<64xf32, #tpu.memory_space<vmem>>, %arg16: memref<64xf32, #tpu.memory_space<vmem>>, %arg17: memref<64xi32, #tpu.memory_space<vmem>>, %arg18: memref<64xi32, #tpu.memory_space<vmem>>, %arg19: memref<64xi32, #tpu.memory_space<vmem>>, %arg20: memref<64xf32, #tpu.memory_space<vmem>>, %arg21: memref<16xf32, #tpu.memory_space<vmem>>, %arg22: memref<10240xf32, #tpu.memory_space<vmem_shared>>, %arg23: memref<10240xf32, #tpu.memory_space<vmem_shared>>, %arg24: memref<10240x64xf32, #tpu.memory_space<vmem_shared>>, %arg25: memref<256xf32, #tpu.memory_space<vmem_shared>>) attributes {dimension_semantics = [#tpu.dimension_semantics<core_parallel>, #tpu.dimension_semantics<subcore_parallel>], iteration_bounds = array<i64: 2, 16>, scalar_prefetch = 0 : i64, scratch_operands = 17 : i64, tpu.core_type = #tpu.core_type<sc_vector_subcore>, window_params = [{transform_indices = #map}, {transform_indices = #map1}, {transform_indices = #map1}, {transform_indices = #map1}, {transform_indices = #map}, {transform_indices = #map1}, {transform_indices = #map}]} {
    %eq3A = arith.constant 0 : i32
    %eq3A_0 = arith.cmpi eq, %arg0, %eq3A : i32
    %convert_element_type3A = arith.extui %eq3A_0 : i1 to i32
    %cond3A = arith.constant 0 : i32
    %cond3A_1 = arith.cmpi ne, %convert_element_type3A, %cond3A : i32
    scf.if %cond3A_1 {
      %mul3A = arith.constant 10240 : i32
      %mul3A_2 = arith.muli %arg1, %mul3A : i32
      %mul3A_3 = arith.constant 640 : i32
      %mul3A_4 = arith.muli %arg1, %mul3A_3 : i32
      %iota3A = tpu.iota {dimensions = array<i32: 0>} : vector<16xi32>
      %broadcast_in_dim3A = arith.constant 0.000000e+00 : f32
      %broadcast_in_dim3A_5 = vector.broadcast %broadcast_in_dim3A : f32 to vector<16xf32>
      "tpu.region"() ({
        %run_scoped3A = tpu.sem_alloc : memref<!tpu.dma_semaphore, #tpu.memory_space<semaphore_mem>>
        %dma_start3A = tpu.memref_slice %arg2[%mul3A_2] : memref<163840xf32, #tpu.memory_space<hbm>> -> memref<10240xf32, #tpu.memory_space<hbm>>
        %dma_start3A_50 = tpu.memref_slice %arg2[%mul3A_2] : memref<163840xf32, #tpu.memory_space<hbm>> -> memref<10240xf32, #tpu.memory_space<hbm>>
        tpu.enqueue_dma source(%dma_start3A_50 : memref<10240xf32, #tpu.memory_space<hbm>>) target(%arg9 : memref<10240xf32, #tpu.memory_space<vmem>>) target_semaphore(%run_scoped3A : memref<!tpu.dma_semaphore, #tpu.memory_space<semaphore_mem>>)
        %dma_wait3A = tpu.memref_slice %arg2[%mul3A_2] : memref<163840xf32, #tpu.memory_space<hbm>> -> memref<10240xf32, #tpu.memory_space<hbm>>
        %dma_wait3A_51 = tpu.memref_slice %arg2[%mul3A_2] : memref<163840xf32, #tpu.memory_space<hbm>> -> memref<10240xf32, #tpu.memory_space<hbm>>
        tpu.wait_dma2 semaphore(%run_scoped3A : memref<!tpu.dma_semaphore, #tpu.memory_space<semaphore_mem>>) src(%dma_wait3A_51 : memref<10240xf32, #tpu.memory_space<hbm>>) dst(%arg9 : memref<10240xf32, #tpu.memory_space<vmem>>)
        tpu.yield
      }) : () -> ()
      "tpu.region"() ({
        %run_scoped3A = tpu.sem_alloc : memref<!tpu.dma_semaphore, #tpu.memory_space<semaphore_mem>>
        tpu.enqueue_dma source(%arg6 : memref<64xf32, #tpu.memory_space<hbm>>) target(%arg20 : memref<64xf32, #tpu.memory_space<vmem>>) target_semaphore(%run_scoped3A : memref<!tpu.dma_semaphore, #tpu.memory_space<semaphore_mem>>)
        tpu.wait_dma2 semaphore(%run_scoped3A : memref<!tpu.dma_semaphore, #tpu.memory_space<semaphore_mem>>) src(%arg6 : memref<64xf32, #tpu.memory_space<hbm>>) dst(%arg20 : memref<64xf32, #tpu.memory_space<vmem>>)
        tpu.yield
      }) : () -> ()
      %scan3A = arith.constant 0 : i32
      %scan3A_6 = arith.constant 0 : i32
      %scan3A_7 = arith.constant 40 : i32
      %scan3A_8 = arith.addi %scan3A_6, %scan3A_7 : i32
      %scan3A_9 = arith.constant 1 : i32
      scf.for %scan3A_50 = %scan3A_6 to %scan3A_8 step %scan3A_9  : i32 {
        %mul3A_51 = arith.constant 16 : i32
        %mul3A_52 = arith.muli %scan3A_50, %mul3A_51 : i32
        %swap3A = arith.index_cast %mul3A_52 : i32 to index
        %swap3A_53 = tpu.vector_load %arg14[%swap3A] {strides = array<i32>} : memref<640xf32, #tpu.memory_space<vmem>>, vector<16xf32>,
        %swap3A_54 = vector.shape_cast %swap3A_53 : vector<16xf32> to vector<16xf32>
        %swap3A_55 = vector.shape_cast %broadcast_in_dim3A_5 : vector<16xf32> to vector<16xf32>
        tpu.vector_store %arg14[%swap3A], %swap3A_55 {strides = array<i32>} : memref<640xf32, #tpu.memory_space<vmem>>, vector<16xf32>,
      }
      %scan3A_10 = arith.constant 40 : i32
      "tpu.region"() ({
        %run_scoped3A = tpu.sem_alloc : memref<!tpu.dma_semaphore, #tpu.memory_space<semaphore_mem>>
        %dma_start3A = tpu.memref_slice %arg22[%mul3A_4] : memref<10240xf32, #tpu.memory_space<vmem_shared>> -> memref<640xf32, #tpu.memory_space<vmem_shared>>
        %dma_start3A_50 = tpu.memref_slice %arg22[%mul3A_4] : memref<10240xf32, #tpu.memory_space<vmem_shared>> -> memref<640xf32, #tpu.memory_space<vmem_shared>>
        tpu.enqueue_dma source(%arg14 : memref<640xf32, #tpu.memory_space<vmem>>) target(%dma_start3A_50 : memref<640xf32, #tpu.memory_space<vmem_shared>>) target_semaphore(%run_scoped3A : memref<!tpu.dma_semaphore, #tpu.memory_space<semaphore_mem>>)
        %dma_wait3A = tpu.memref_slice %arg22[%mul3A_4] : memref<10240xf32, #tpu.memory_space<vmem_shared>> -> memref<640xf32, #tpu.memory_space<vmem_shared>>
        %dma_wait3A_51 = tpu.memref_slice %arg22[%mul3A_4] : memref<10240xf32, #tpu.memory_space<vmem_shared>> -> memref<640xf32, #tpu.memory_space<vmem_shared>>
        tpu.wait_dma2 semaphore(%run_scoped3A : memref<!tpu.dma_semaphore, #tpu.memory_space<semaphore_mem>>) src(%arg14 : memref<640xf32, #tpu.memory_space<vmem>>) dst(%dma_wait3A_51 : memref<640xf32, #tpu.memory_space<vmem_shared>>)
        tpu.yield
      }) : () -> ()
      %scan3A_11 = arith.constant 0 : i32
      %scan3A_12 = arith.constant 0 : i32
      %scan3A_13 = arith.constant 64 : i32
      %scan3A_14 = arith.addi %scan3A_12, %scan3A_13 : i32
      %scan3A_15 = arith.constant 1 : i32
      scf.for %scan3A_50 = %scan3A_12 to %scan3A_14 step %scan3A_15  : i32 {
        %scan3A_51 = arith.constant 0 : i32
        %scan3A_52 = arith.constant 0 : i32
        %scan3A_53 = arith.constant 4 : i32
        %scan3A_54 = arith.addi %scan3A_52, %scan3A_53 : i32
        %scan3A_55 = arith.constant 1 : i32
        scf.for %scan3A_57 = %scan3A_52 to %scan3A_54 step %scan3A_55  : i32 {
          %mul3A_58 = arith.constant 16 : i32
          %mul3A_59 = arith.muli %scan3A_57, %mul3A_58 : i32
          %swap3A = arith.index_cast %scan3A_50 : i32 to index
          %swap3A_60 = arith.index_cast %mul3A_59 : i32 to index
          %swap3A_61 = tpu.vector_load %arg11[%swap3A, %swap3A_60] {strides = array<i32>} : memref<64x64xf32, #tpu.memory_space<vmem>>, vector<1x16xf32>,
          %swap3A_62 = vector.shape_cast %swap3A_61 : vector<1x16xf32> to vector<16xf32>
          %swap3A_63 = vector.shape_cast %broadcast_in_dim3A_5 : vector<16xf32> to vector<1x16xf32>
          tpu.vector_store %arg11[%swap3A, %swap3A_60], %swap3A_63 {strides = array<i32>} : memref<64x64xf32, #tpu.memory_space<vmem>>, vector<1x16xf32>,
        }
        %scan3A_56 = arith.constant 4 : i32
      }
      %scan3A_16 = arith.constant 64 : i32
      %scan3A_17 = arith.constant 0 : i32
      %scan3A_18 = arith.constant 0 : i32
      %scan3A_19 = arith.constant 10 : i32
      %scan3A_20 = arith.addi %scan3A_18, %scan3A_19 : i32
      %scan3A_21 = arith.constant 1 : i32
      scf.for %scan3A_50 = %scan3A_18 to %scan3A_20 step %scan3A_21  : i32 {
        %mul3A_51 = arith.constant 64 : i32
        %mul3A_52 = arith.muli %scan3A_50, %mul3A_51 : i32
        %add3A = arith.addi %mul3A_4, %mul3A_52 : i32
        "tpu.region"() ({
          %run_scoped3A = tpu.sem_alloc : memref<!tpu.dma_semaphore, #tpu.memory_space<semaphore_mem>>
          %dma_start3A = arith.constant 0 : i32
          %dma_start3A_53 = tpu.memref_slice %arg24[%add3A, %dma_start3A] : memref<10240x64xf32, #tpu.memory_space<vmem_shared>> -> memref<64x64xf32, #tpu.memory_space<vmem_shared>>
          %dma_start3A_54 = arith.constant 0 : i32
          %dma_start3A_55 = tpu.memref_slice %arg24[%add3A, %dma_start3A_54] : memref<10240x64xf32, #tpu.memory_space<vmem_shared>> -> memref<64x64xf32, #tpu.memory_space<vmem_shared>>
          tpu.enqueue_dma source(%arg11 : memref<64x64xf32, #tpu.memory_space<vmem>>) target(%dma_start3A_55 : memref<64x64xf32, #tpu.memory_space<vmem_shared>>) target_semaphore(%run_scoped3A : memref<!tpu.dma_semaphore, #tpu.memory_space<semaphore_mem>>)
          %dma_wait3A = arith.constant 0 : i32
          %dma_wait3A_56 = tpu.memref_slice %arg24[%add3A, %dma_wait3A] : memref<10240x64xf32, #tpu.memory_space<vmem_shared>> -> memref<64x64xf32, #tpu.memory_space<vmem_shared>>
          %dma_wait3A_57 = arith.constant 0 : i32
          %dma_wait3A_58 = tpu.memref_slice %arg24[%add3A, %dma_wait3A_57] : memref<10240x64xf32, #tpu.memory_space<vmem_shared>> -> memref<64x64xf32, #tpu.memory_space<vmem_shared>>
          tpu.wait_dma2 semaphore(%run_scoped3A : memref<!tpu.dma_semaphore, #tpu.memory_space<semaphore_mem>>) src(%arg11 : memref<64x64xf32, #tpu.memory_space<vmem>>) dst(%dma_wait3A_58 : memref<64x64xf32, #tpu.memory_space<vmem_shared>>)
          tpu.yield
        }) : () -> ()
      }
      %scan3A_22 = arith.constant 10 : i32
      %barrier3A = arith.constant 0 : index
      tpu.barrier barrier_id(%barrier3A)
      %scan3A_23 = arith.constant 0 : i32
      %scan3A_24 = arith.constant 0 : i32
      %scan3A_25 = arith.constant 160 : i32
      %scan3A_26 = arith.addi %scan3A_24, %scan3A_25 : i32
      %scan3A_27 = arith.constant 1 : i32
      scf.for %scan3A_50 = %scan3A_24 to %scan3A_26 step %scan3A_27  : i32 {
        %mul3A_51 = arith.constant 160 : i32
        %mul3A_52 = arith.muli %arg1, %mul3A_51 : i32
        %add3A = arith.addi %mul3A_52, %scan3A_50 : i32
        "tpu.region"() ({
          %run_scoped3A = tpu.sem_alloc : memref<!tpu.dma_semaphore, #tpu.memory_space<semaphore_mem>>
          %dma_start3A = arith.constant 0 : i32
          %dma_start3A_55 = tpu.memref_slice %arg4[%add3A, %dma_start3A] : memref<2560x64xi32, #tpu.memory_space<hbm>> -> memref<1x64xi32, #tpu.memory_space<hbm>>
          %dma_start3A_56 = tpu.memref_squeeze %dma_start3A_55 : memref<1x64xi32, #tpu.memory_space<hbm>> -> memref<64xi32, #tpu.memory_space<hbm>>
          %dma_start3A_57 = arith.constant 0 : i32
          %dma_start3A_58 = tpu.memref_slice %arg4[%add3A, %dma_start3A_57] : memref<2560x64xi32, #tpu.memory_space<hbm>> -> memref<1x64xi32, #tpu.memory_space<hbm>>
          %dma_start3A_59 = tpu.memref_squeeze %dma_start3A_58 : memref<1x64xi32, #tpu.memory_space<hbm>> -> memref<64xi32, #tpu.memory_space<hbm>>
          tpu.enqueue_dma source(%dma_start3A_59 : memref<64xi32, #tpu.memory_space<hbm>>) target(%arg18 : memref<64xi32, #tpu.memory_space<vmem>>) target_semaphore(%run_scoped3A : memref<!tpu.dma_semaphore, #tpu.memory_space<semaphore_mem>>)
          %dma_wait3A = arith.constant 0 : i32
          %dma_wait3A_60 = tpu.memref_slice %arg4[%add3A, %dma_wait3A] : memref<2560x64xi32, #tpu.memory_space<hbm>> -> memref<1x64xi32, #tpu.memory_space<hbm>>
          %dma_wait3A_61 = tpu.memref_squeeze %dma_wait3A_60 : memref<1x64xi32, #tpu.memory_space<hbm>> -> memref<64xi32, #tpu.memory_space<hbm>>
          %dma_wait3A_62 = arith.constant 0 : i32
          %dma_wait3A_63 = tpu.memref_slice %arg4[%add3A, %dma_wait3A_62] : memref<2560x64xi32, #tpu.memory_space<hbm>> -> memref<1x64xi32, #tpu.memory_space<hbm>>
          %dma_wait3A_64 = tpu.memref_squeeze %dma_wait3A_63 : memref<1x64xi32, #tpu.memory_space<hbm>> -> memref<64xi32, #tpu.memory_space<hbm>>
          tpu.wait_dma2 semaphore(%run_scoped3A : memref<!tpu.dma_semaphore, #tpu.memory_space<semaphore_mem>>) src(%dma_wait3A_64 : memref<64xi32, #tpu.memory_space<hbm>>) dst(%arg18 : memref<64xi32, #tpu.memory_space<vmem>>)
          tpu.yield
        }) : () -> ()
        %mul3A_53 = arith.constant 64 : i32
        %mul3A_54 = arith.muli %scan3A_50, %mul3A_53 : i32
        "tpu.region"() ({
          %run_scoped3A = tpu.sem_alloc : memref<!tpu.dma_semaphore, #tpu.memory_space<semaphore_mem>>
          %dma_start3A = tpu.memref_slice %arg9[%mul3A_54] : memref<10240xf32, #tpu.memory_space<vmem>> -> memref<64xf32, #tpu.memory_space<vmem>>
          %dma_start3A_55 = arith.constant 0 : i32
          %dma_start3A_56 = tpu.memref_slice %arg22[%dma_start3A_55] : memref<10240xf32, #tpu.memory_space<vmem_shared>> -> memref<10240xf32, #tpu.memory_space<vmem_shared>>
          tpu.enqueue_indirect_dma source(%dma_start3A : memref<64xf32, #tpu.memory_space<vmem>>) target(%dma_start3A_56 : memref<10240xf32, #tpu.memory_space<vmem_shared>>) offsets(%arg18 : memref<64xi32, #tpu.memory_space<vmem>>) semaphore(%run_scoped3A : memref<!tpu.dma_semaphore, #tpu.memory_space<semaphore_mem>>) {add = true}
          %dma_wait3A = tpu.memref_slice %arg9[%mul3A_54] : memref<10240xf32, #tpu.memory_space<vmem>> -> memref<64xf32, #tpu.memory_space<vmem>>
          %dma_wait3A_57 = arith.constant 0 : i32
          %dma_wait3A_58 = tpu.memref_slice %arg22[%dma_wait3A_57] : memref<10240xf32, #tpu.memory_space<vmem_shared>> -> memref<10240xf32, #tpu.memory_space<vmem_shared>>
          tpu.wait_indirect_dma semaphore(%run_scoped3A : memref<!tpu.dma_semaphore, #tpu.memory_space<semaphore_mem>>) src(%dma_wait3A : memref<64xf32, #tpu.memory_space<vmem>>) dst(%dma_wait3A_58 : memref<10240xf32, #tpu.memory_space<vmem_shared>>)
          tpu.yield
        }) : () -> ()
      }
      %scan3A_28 = arith.constant 160 : i32
      %barrier3A_29 = arith.constant 0 : index
      tpu.barrier barrier_id(%barrier3A_29)
      "tpu.region"() ({
        %run_scoped3A = tpu.sem_alloc : memref<!tpu.dma_semaphore, #tpu.memory_space<semaphore_mem>>
        %dma_start3A = tpu.memref_slice %arg22[%mul3A_4] : memref<10240xf32, #tpu.memory_space<vmem_shared>> -> memref<640xf32, #tpu.memory_space<vmem_shared>>
        %dma_start3A_50 = tpu.memref_slice %arg22[%mul3A_4] : memref<10240xf32, #tpu.memory_space<vmem_shared>> -> memref<640xf32, #tpu.memory_space<vmem_shared>>
        tpu.enqueue_dma source(%dma_start3A_50 : memref<640xf32, #tpu.memory_space<vmem_shared>>) target(%arg14 : memref<640xf32, #tpu.memory_space<vmem>>) target_semaphore(%run_scoped3A : memref<!tpu.dma_semaphore, #tpu.memory_space<semaphore_mem>>)
        %dma_wait3A = tpu.memref_slice %arg22[%mul3A_4] : memref<10240xf32, #tpu.memory_space<vmem_shared>> -> memref<640xf32, #tpu.memory_space<vmem_shared>>
        %dma_wait3A_51 = tpu.memref_slice %arg22[%mul3A_4] : memref<10240xf32, #tpu.memory_space<vmem_shared>> -> memref<640xf32, #tpu.memory_space<vmem_shared>>
        tpu.wait_dma2 semaphore(%run_scoped3A : memref<!tpu.dma_semaphore, #tpu.memory_space<semaphore_mem>>) src(%dma_wait3A_51 : memref<640xf32, #tpu.memory_space<vmem_shared>>) dst(%arg14 : memref<640xf32, #tpu.memory_space<vmem>>)
        tpu.yield
      }) : () -> ()
      %scan3A_30 = arith.constant 0 : i32
      %scan3A_31 = arith.constant 0 : i32
      %scan3A_32 = arith.constant 40 : i32
      %scan3A_33 = arith.addi %scan3A_31, %scan3A_32 : i32
      %scan3A_34 = arith.constant 1 : i32
      scf.for %scan3A_50 = %scan3A_31 to %scan3A_33 step %scan3A_34  : i32 {
        %mul3A_51 = arith.constant 16 : i32
        %mul3A_52 = arith.muli %scan3A_50, %mul3A_51 : i32
        %get3A = arith.index_cast %mul3A_52 : i32 to index
        %get3A_53 = tpu.vector_load %arg14[%get3A] {strides = array<i32>} : memref<640xf32, #tpu.memory_space<vmem>>, vector<16xf32>,
        %get3A_54 = vector.shape_cast %get3A_53 : vector<16xf32> to vector<16xf32>
        %add3A = arith.constant 9.99999993E-9 : f32
        %add3A_55 = vector.broadcast %add3A : f32 to vector<16xf32>
        %add3A_56 = arith.addf %get3A_54, %add3A_55 : vector<16xf32>
        %bitcast_convert_type3A = tpu.bitcast %add3A_56 : vector<16xf32> -> vector<16xi32>
        %broadcast_in_dim3A_57 = arith.constant 1597463007 : i32
        %broadcast_in_dim3A_58 = vector.broadcast %broadcast_in_dim3A_57 : i32 to vector<16xi32>
        %shift_right_logical3A = arith.constant 1 : i32
        %shift_right_logical3A_59 = vector.broadcast %shift_right_logical3A : i32 to vector<16xi32>
        %shift_right_logical3A_60 = arith.shrui %bitcast_convert_type3A, %shift_right_logical3A_59 : vector<16xi32>
        %sub3A = arith.subi %broadcast_in_dim3A_58, %shift_right_logical3A_60 : vector<16xi32>
        %bitcast_convert_type3A_61 = tpu.bitcast %sub3A : vector<16xi32> -> vector<16xf32>
        %mul3A_62 = arith.constant 5.000000e-01 : f32
        %mul3A_63 = vector.broadcast %mul3A_62 : f32 to vector<16xf32>
        %mul3A_64 = arith.mulf %mul3A_63, %add3A_56 : vector<16xf32>
        %mul3A_65 = arith.mulf %mul3A_64, %bitcast_convert_type3A_61 : vector<16xf32>
        %mul3A_66 = arith.mulf %mul3A_65, %bitcast_convert_type3A_61 : vector<16xf32>
        %sub3A_67 = arith.constant 1.500000e+00 : f32
        %sub3A_68 = vector.broadcast %sub3A_67 : f32 to vector<16xf32>
        %sub3A_69 = arith.subf %sub3A_68, %mul3A_66 : vector<16xf32>
        %mul3A_70 = arith.mulf %bitcast_convert_type3A_61, %sub3A_69 : vector<16xf32>
        %mul3A_71 = arith.constant 5.000000e-01 : f32
        %mul3A_72 = vector.broadcast %mul3A_71 : f32 to vector<16xf32>
        %mul3A_73 = arith.mulf %mul3A_72, %add3A_56 : vector<16xf32>
        %mul3A_74 = arith.mulf %mul3A_73, %mul3A_70 : vector<16xf32>
        %mul3A_75 = arith.mulf %mul3A_74, %mul3A_70 : vector<16xf32>
        %sub3A_76 = arith.constant 1.500000e+00 : f32
        %sub3A_77 = vector.broadcast %sub3A_76 : f32 to vector<16xf32>
        %sub3A_78 = arith.subf %sub3A_77, %mul3A_75 : vector<16xf32>
        %mul3A_79 = arith.mulf %mul3A_70, %sub3A_78 : vector<16xf32>
        %mul3A_80 = arith.constant 5.000000e-01 : f32
        %mul3A_81 = vector.broadcast %mul3A_80 : f32 to vector<16xf32>
        %mul3A_82 = arith.mulf %mul3A_81, %add3A_56 : vector<16xf32>
        %mul3A_83 = arith.mulf %mul3A_82, %mul3A_79 : vector<16xf32>
        %mul3A_84 = arith.mulf %mul3A_83, %mul3A_79 : vector<16xf32>
        %sub3A_85 = arith.constant 1.500000e+00 : f32
        %sub3A_86 = vector.broadcast %sub3A_85 : f32 to vector<16xf32>
        %sub3A_87 = arith.subf %sub3A_86, %mul3A_84 : vector<16xf32>
        %mul3A_88 = arith.mulf %mul3A_79, %sub3A_87 : vector<16xf32>
        %mul3A_89 = arith.constant 5.000000e-01 : f32
        %mul3A_90 = vector.broadcast %mul3A_89 : f32 to vector<16xf32>
        %mul3A_91 = arith.mulf %mul3A_90, %add3A_56 : vector<16xf32>
        %mul3A_92 = arith.mulf %mul3A_91, %mul3A_88 : vector<16xf32>
        %mul3A_93 = arith.mulf %mul3A_92, %mul3A_88 : vector<16xf32>
        %sub3A_94 = arith.constant 1.500000e+00 : f32
        %sub3A_95 = vector.broadcast %sub3A_94 : f32 to vector<16xf32>
        %sub3A_96 = arith.subf %sub3A_95, %mul3A_93 : vector<16xf32>
        %mul3A_97 = arith.mulf %mul3A_88, %sub3A_96 : vector<16xf32>
        %swap3A = arith.index_cast %mul3A_52 : i32 to index
        %swap3A_98 = tpu.vector_load %arg14[%swap3A] {strides = array<i32>} : memref<640xf32, #tpu.memory_space<vmem>>, vector<16xf32>,
        %swap3A_99 = vector.shape_cast %swap3A_98 : vector<16xf32> to vector<16xf32>
        %swap3A_100 = vector.shape_cast %mul3A_97 : vector<16xf32> to vector<16xf32>
        tpu.vector_store %arg14[%swap3A], %swap3A_100 {strides = array<i32>} : memref<640xf32, #tpu.memory_space<vmem>>, vector<16xf32>,
      }
      %scan3A_35 = arith.constant 40 : i32
      "tpu.region"() ({
        %run_scoped3A = tpu.sem_alloc : memref<!tpu.dma_semaphore, #tpu.memory_space<semaphore_mem>>
        %dma_start3A = tpu.memref_slice %arg23[%mul3A_4] : memref<10240xf32, #tpu.memory_space<vmem_shared>> -> memref<640xf32, #tpu.memory_space<vmem_shared>>
        %dma_start3A_50 = tpu.memref_slice %arg23[%mul3A_4] : memref<10240xf32, #tpu.memory_space<vmem_shared>> -> memref<640xf32, #tpu.memory_space<vmem_shared>>
        tpu.enqueue_dma source(%arg14 : memref<640xf32, #tpu.memory_space<vmem>>) target(%dma_start3A_50 : memref<640xf32, #tpu.memory_space<vmem_shared>>) target_semaphore(%run_scoped3A : memref<!tpu.dma_semaphore, #tpu.memory_space<semaphore_mem>>)
        %dma_wait3A = tpu.memref_slice %arg23[%mul3A_4] : memref<10240xf32, #tpu.memory_space<vmem_shared>> -> memref<640xf32, #tpu.memory_space<vmem_shared>>
        %dma_wait3A_51 = tpu.memref_slice %arg23[%mul3A_4] : memref<10240xf32, #tpu.memory_space<vmem_shared>> -> memref<640xf32, #tpu.memory_space<vmem_shared>>
        tpu.wait_dma2 semaphore(%run_scoped3A : memref<!tpu.dma_semaphore, #tpu.memory_space<semaphore_mem>>) src(%arg14 : memref<640xf32, #tpu.memory_space<vmem>>) dst(%dma_wait3A_51 : memref<640xf32, #tpu.memory_space<vmem_shared>>)
        tpu.yield
      }) : () -> ()
      "tpu.region"() ({
        %run_scoped3A = tpu.sem_alloc : memref<!tpu.dma_semaphore, #tpu.memory_space<semaphore_mem>>
        %dma_start3A = tpu.memref_slice %arg8[%mul3A_4] : memref<10240xf32, #tpu.memory_space<hbm>> -> memref<640xf32, #tpu.memory_space<hbm>>
        %dma_start3A_50 = tpu.memref_slice %arg8[%mul3A_4] : memref<10240xf32, #tpu.memory_space<hbm>> -> memref<640xf32, #tpu.memory_space<hbm>>
        tpu.enqueue_dma source(%arg14 : memref<640xf32, #tpu.memory_space<vmem>>) target(%dma_start3A_50 : memref<640xf32, #tpu.memory_space<hbm>>) target_semaphore(%run_scoped3A : memref<!tpu.dma_semaphore, #tpu.memory_space<semaphore_mem>>)
        %dma_wait3A = tpu.memref_slice %arg8[%mul3A_4] : memref<10240xf32, #tpu.memory_space<hbm>> -> memref<640xf32, #tpu.memory_space<hbm>>
        %dma_wait3A_51 = tpu.memref_slice %arg8[%mul3A_4] : memref<10240xf32, #tpu.memory_space<hbm>> -> memref<640xf32, #tpu.memory_space<hbm>>
        tpu.wait_dma2 semaphore(%run_scoped3A : memref<!tpu.dma_semaphore, #tpu.memory_space<semaphore_mem>>) src(%arg14 : memref<640xf32, #tpu.memory_space<vmem>>) dst(%dma_wait3A_51 : memref<640xf32, #tpu.memory_space<hbm>>)
        tpu.yield
      }) : () -> ()
      %barrier3A_36 = arith.constant 0 : index
      tpu.barrier barrier_id(%barrier3A_36)
      %scan3A_37 = arith.constant 0 : i32
      %scan3A_38 = arith.constant 0 : i32
      %scan3A_39 = arith.constant 160 : i32
      %scan3A_40 = arith.addi %scan3A_38, %scan3A_39 : i32
      %scan3A_41 = arith.constant 1 : i32
      scf.for %scan3A_50 = %scan3A_38 to %scan3A_40 step %scan3A_41  : i32 {
        %mul3A_51 = arith.constant 160 : i32
        %mul3A_52 = arith.muli %arg1, %mul3A_51 : i32
        %add3A = arith.addi %mul3A_52, %scan3A_50 : i32
        "tpu.region"() ({
          %run_scoped3A = tpu.sem_alloc : memref<!tpu.dma_semaphore, #tpu.memory_space<semaphore_mem>>
          %dma_start3A = arith.constant 0 : i32
          %dma_start3A_62 = tpu.memref_slice %arg3[%add3A, %dma_start3A] : memref<2560x64xi32, #tpu.memory_space<hbm>> -> memref<1x64xi32, #tpu.memory_space<hbm>>
          %dma_start3A_63 = tpu.memref_squeeze %dma_start3A_62 : memref<1x64xi32, #tpu.memory_space<hbm>> -> memref<64xi32, #tpu.memory_space<hbm>>
          %dma_start3A_64 = arith.constant 0 : i32
          %dma_start3A_65 = tpu.memref_slice %arg3[%add3A, %dma_start3A_64] : memref<2560x64xi32, #tpu.memory_space<hbm>> -> memref<1x64xi32, #tpu.memory_space<hbm>>
          %dma_start3A_66 = tpu.memref_squeeze %dma_start3A_65 : memref<1x64xi32, #tpu.memory_space<hbm>> -> memref<64xi32, #tpu.memory_space<hbm>>
          tpu.enqueue_dma source(%dma_start3A_66 : memref<64xi32, #tpu.memory_space<hbm>>) target(%arg17 : memref<64xi32, #tpu.memory_space<vmem>>) target_semaphore(%run_scoped3A : memref<!tpu.dma_semaphore, #tpu.memory_space<semaphore_mem>>)
          %dma_wait3A = arith.constant 0 : i32
          %dma_wait3A_67 = tpu.memref_slice %arg3[%add3A, %dma_wait3A] : memref<2560x64xi32, #tpu.memory_space<hbm>> -> memref<1x64xi32, #tpu.memory_space<hbm>>
          %dma_wait3A_68 = tpu.memref_squeeze %dma_wait3A_67 : memref<1x64xi32, #tpu.memory_space<hbm>> -> memref<64xi32, #tpu.memory_space<hbm>>
          %dma_wait3A_69 = arith.constant 0 : i32
          %dma_wait3A_70 = tpu.memref_slice %arg3[%add3A, %dma_wait3A_69] : memref<2560x64xi32, #tpu.memory_space<hbm>> -> memref<1x64xi32, #tpu.memory_space<hbm>>
          %dma_wait3A_71 = tpu.memref_squeeze %dma_wait3A_70 : memref<1x64xi32, #tpu.memory_space<hbm>> -> memref<64xi32, #tpu.memory_space<hbm>>
          tpu.wait_dma2 semaphore(%run_scoped3A : memref<!tpu.dma_semaphore, #tpu.memory_space<semaphore_mem>>) src(%dma_wait3A_71 : memref<64xi32, #tpu.memory_space<hbm>>) dst(%arg17 : memref<64xi32, #tpu.memory_space<vmem>>)
          tpu.yield
        }) : () -> ()
        %mul3A_53 = arith.constant 160 : i32
        %mul3A_54 = arith.muli %arg1, %mul3A_53 : i32
        %add3A_55 = arith.addi %mul3A_54, %scan3A_50 : i32
        "tpu.region"() ({
          %run_scoped3A = tpu.sem_alloc : memref<!tpu.dma_semaphore, #tpu.memory_space<semaphore_mem>>
          %dma_start3A = arith.constant 0 : i32
          %dma_start3A_62 = tpu.memref_slice %arg4[%add3A_55, %dma_start3A] : memref<2560x64xi32, #tpu.memory_space<hbm>> -> memref<1x64xi32, #tpu.memory_space<hbm>>
          %dma_start3A_63 = tpu.memref_squeeze %dma_start3A_62 : memref<1x64xi32, #tpu.memory_space<hbm>> -> memref<64xi32, #tpu.memory_space<hbm>>
          %dma_start3A_64 = arith.constant 0 : i32
          %dma_start3A_65 = tpu.memref_slice %arg4[%add3A_55, %dma_start3A_64] : memref<2560x64xi32, #tpu.memory_space<hbm>> -> memref<1x64xi32, #tpu.memory_space<hbm>>
          %dma_start3A_66 = tpu.memref_squeeze %dma_start3A_65 : memref<1x64xi32, #tpu.memory_space<hbm>> -> memref<64xi32, #tpu.memory_space<hbm>>
          tpu.enqueue_dma source(%dma_start3A_66 : memref<64xi32, #tpu.memory_space<hbm>>) target(%arg18 : memref<64xi32, #tpu.memory_space<vmem>>) target_semaphore(%run_scoped3A : memref<!tpu.dma_semaphore, #tpu.memory_space<semaphore_mem>>)
          %dma_wait3A = arith.constant 0 : i32
          %dma_wait3A_67 = tpu.memref_slice %arg4[%add3A_55, %dma_wait3A] : memref<2560x64xi32, #tpu.memory_space<hbm>> -> memref<1x64xi32, #tpu.memory_space<hbm>>
          %dma_wait3A_68 = tpu.memref_squeeze %dma_wait3A_67 : memref<1x64xi32, #tpu.memory_space<hbm>> -> memref<64xi32, #tpu.memory_space<hbm>>
          %dma_wait3A_69 = arith.constant 0 : i32
          %dma_wait3A_70 = tpu.memref_slice %arg4[%add3A_55, %dma_wait3A_69] : memref<2560x64xi32, #tpu.memory_space<hbm>> -> memref<1x64xi32, #tpu.memory_space<hbm>>
          %dma_wait3A_71 = tpu.memref_squeeze %dma_wait3A_70 : memref<1x64xi32, #tpu.memory_space<hbm>> -> memref<64xi32, #tpu.memory_space<hbm>>
          tpu.wait_dma2 semaphore(%run_scoped3A : memref<!tpu.dma_semaphore, #tpu.memory_space<semaphore_mem>>) src(%dma_wait3A_71 : memref<64xi32, #tpu.memory_space<hbm>>) dst(%arg18 : memref<64xi32, #tpu.memory_space<vmem>>)
          tpu.yield
        }) : () -> ()
        "tpu.region"() ({
          %run_scoped3A = tpu.sem_alloc : memref<!tpu.dma_semaphore, #tpu.memory_space<semaphore_mem>>
          %dma_start3A = arith.constant 0 : i32
          %dma_start3A_62 = arith.constant 0 : i32
          %dma_start3A_63 = tpu.memref_slice %arg5[%dma_start3A, %dma_start3A_62] : memref<10240x128xf32, #tpu.memory_space<hbm>> -> memref<10240x128xf32, #tpu.memory_space<hbm>>
          tpu.enqueue_indirect_dma source(%dma_start3A_63 : memref<10240x128xf32, #tpu.memory_space<hbm>>) target(%arg10 : memref<64x128xf32, #tpu.memory_space<vmem>>) offsets(%arg17 : memref<64xi32, #tpu.memory_space<vmem>>) semaphore(%run_scoped3A : memref<!tpu.dma_semaphore, #tpu.memory_space<semaphore_mem>>)
          %dma_wait3A = arith.constant 0 : i32
          %dma_wait3A_64 = arith.constant 0 : i32
          %dma_wait3A_65 = tpu.memref_slice %arg5[%dma_wait3A, %dma_wait3A_64] : memref<10240x128xf32, #tpu.memory_space<hbm>> -> memref<10240x128xf32, #tpu.memory_space<hbm>>
          tpu.wait_indirect_dma semaphore(%run_scoped3A : memref<!tpu.dma_semaphore, #tpu.memory_space<semaphore_mem>>) src(%dma_wait3A_65 : memref<10240x128xf32, #tpu.memory_space<hbm>>) dst(%arg10 : memref<64x128xf32, #tpu.memory_space<vmem>>)
          tpu.yield
        }) : () -> ()
        "tpu.region"() ({
          %run_scoped3A = tpu.sem_alloc : memref<!tpu.dma_semaphore, #tpu.memory_space<semaphore_mem>>
          %dma_start3A = arith.constant 0 : i32
          %dma_start3A_62 = tpu.memref_slice %arg23[%dma_start3A] : memref<10240xf32, #tpu.memory_space<vmem_shared>> -> memref<10240xf32, #tpu.memory_space<vmem_shared>>
          tpu.enqueue_indirect_dma source(%dma_start3A_62 : memref<10240xf32, #tpu.memory_space<vmem_shared>>) target(%arg15 : memref<64xf32, #tpu.memory_space<vmem>>) offsets(%arg17 : memref<64xi32, #tpu.memory_space<vmem>>) semaphore(%run_scoped3A : memref<!tpu.dma_semaphore, #tpu.memory_space<semaphore_mem>>)
          %dma_wait3A = arith.constant 0 : i32
          %dma_wait3A_63 = tpu.memref_slice %arg23[%dma_wait3A] : memref<10240xf32, #tpu.memory_space<vmem_shared>> -> memref<10240xf32, #tpu.memory_space<vmem_shared>>
          tpu.wait_indirect_dma semaphore(%run_scoped3A : memref<!tpu.dma_semaphore, #tpu.memory_space<semaphore_mem>>) src(%dma_wait3A_63 : memref<10240xf32, #tpu.memory_space<vmem_shared>>) dst(%arg15 : memref<64xf32, #tpu.memory_space<vmem>>)
          tpu.yield
        }) : () -> ()
        "tpu.region"() ({
          %run_scoped3A = tpu.sem_alloc : memref<!tpu.dma_semaphore, #tpu.memory_space<semaphore_mem>>
          %dma_start3A = arith.constant 0 : i32
          %dma_start3A_62 = tpu.memref_slice %arg23[%dma_start3A] : memref<10240xf32, #tpu.memory_space<vmem_shared>> -> memref<10240xf32, #tpu.memory_space<vmem_shared>>
          tpu.enqueue_indirect_dma source(%dma_start3A_62 : memref<10240xf32, #tpu.memory_space<vmem_shared>>) target(%arg16 : memref<64xf32, #tpu.memory_space<vmem>>) offsets(%arg18 : memref<64xi32, #tpu.memory_space<vmem>>) semaphore(%run_scoped3A : memref<!tpu.dma_semaphore, #tpu.memory_space<semaphore_mem>>)
          %dma_wait3A = arith.constant 0 : i32
          %dma_wait3A_63 = tpu.memref_slice %arg23[%dma_wait3A] : memref<10240xf32, #tpu.memory_space<vmem_shared>> -> memref<10240xf32, #tpu.memory_space<vmem_shared>>
          tpu.wait_indirect_dma semaphore(%run_scoped3A : memref<!tpu.dma_semaphore, #tpu.memory_space<semaphore_mem>>) src(%dma_wait3A_63 : memref<10240xf32, #tpu.memory_space<vmem_shared>>) dst(%arg16 : memref<64xf32, #tpu.memory_space<vmem>>)
          tpu.yield
        }) : () -> ()
        %scan3A_56 = arith.constant 0 : i32
        %scan3A_57 = arith.constant 0 : i32
        %scan3A_58 = arith.constant 4 : i32
        %scan3A_59 = arith.addi %scan3A_57, %scan3A_58 : i32
        %scan3A_60 = arith.constant 1 : i32
        scf.for %scan3A_62 = %scan3A_57 to %scan3A_59 step %scan3A_60  : i32 {
          %mul3A_63 = arith.constant 16 : i32
          %mul3A_64 = arith.muli %scan3A_62, %mul3A_63 : i32
          %mul3A_65 = arith.constant 64 : i32
          %mul3A_66 = arith.muli %scan3A_50, %mul3A_65 : i32
          %mul3A_67 = arith.constant 16 : i32
          %mul3A_68 = arith.muli %scan3A_62, %mul3A_67 : i32
          %add3A_69 = arith.addi %mul3A_66, %mul3A_68 : i32
          %get3A = arith.index_cast %mul3A_64 : i32 to index
          %get3A_70 = tpu.vector_load %arg15[%get3A] {strides = array<i32>} : memref<64xf32, #tpu.memory_space<vmem>>, vector<16xf32>,
          %get3A_71 = vector.shape_cast %get3A_70 : vector<16xf32> to vector<16xf32>
          %get3A_72 = arith.index_cast %add3A_69 : i32 to index
          %get3A_73 = tpu.vector_load %arg9[%get3A_72] {strides = array<i32>} : memref<10240xf32, #tpu.memory_space<vmem>>, vector<16xf32>,
          %get3A_74 = vector.shape_cast %get3A_73 : vector<16xf32> to vector<16xf32>
          %mul3A_75 = arith.mulf %get3A_71, %get3A_74 : vector<16xf32>
          %get3A_76 = arith.index_cast %mul3A_64 : i32 to index
          %get3A_77 = tpu.vector_load %arg16[%get3A_76] {strides = array<i32>} : memref<64xf32, #tpu.memory_space<vmem>>, vector<16xf32>,
          %get3A_78 = vector.shape_cast %get3A_77 : vector<16xf32> to vector<16xf32>
          %mul3A_79 = arith.mulf %mul3A_75, %get3A_78 : vector<16xf32>
          %scan3A_80 = arith.constant 0 : i32
          %scan3A_81 = arith.constant 0 : i32
          %scan3A_82 = arith.constant 16 : i32
          %scan3A_83 = arith.addi %scan3A_81, %scan3A_82 : i32
          %scan3A_84 = arith.constant 1 : i32
          scf.for %scan3A_86 = %scan3A_81 to %scan3A_83 step %scan3A_84  : i32 {
            %broadcast_in_dim3A_87 = vector.broadcast %scan3A_86 : i32 to vector<16xi32>
            %broadcast_in_dim3A_88 = vector.shape_cast %broadcast_in_dim3A_87 : vector<16xi32> to vector<16x1xi32>
            %gather3A = vector.shape_cast %broadcast_in_dim3A_88 : vector<16x1xi32> to vector<16xi32>
            %gather3A_89 = tpu.dynamic_gather %mul3A_79[%gather3A] in [0] : vector<16xf32>, vector<16xi32> -> vector<16xf32>
            %mul3A_90 = arith.constant 16 : i32
            %mul3A_91 = arith.muli %scan3A_62, %mul3A_90 : i32
            %add3A_92 = arith.addi %mul3A_91, %scan3A_86 : i32
            %scan3A_93 = arith.constant 0 : i32
            %scan3A_94 = arith.constant 0 : i32
            %scan3A_95 = arith.constant 4 : i32
            %scan3A_96 = arith.addi %scan3A_94, %scan3A_95 : i32
            %scan3A_97 = arith.constant 1 : i32
            scf.for %scan3A_99 = %scan3A_94 to %scan3A_96 step %scan3A_97  : i32 {
              %mul3A_100 = arith.constant 16 : i32
              %mul3A_101 = arith.muli %scan3A_99, %mul3A_100 : i32
              %get3A_102 = arith.index_cast %add3A_92 : i32 to index
              %get3A_103 = arith.index_cast %mul3A_101 : i32 to index
              %get3A_104 = tpu.vector_load %arg10[%get3A_102, %get3A_103] {strides = array<i32>} : memref<64x128xf32, #tpu.memory_space<vmem>>, vector<1x16xf32>,
              %get3A_105 = vector.shape_cast %get3A_104 : vector<1x16xf32> to vector<16xf32>
              %mul3A_106 = arith.mulf %gather3A_89, %get3A_105 : vector<16xf32>
              %swap3A = arith.index_cast %add3A_92 : i32 to index
              %swap3A_107 = arith.index_cast %mul3A_101 : i32 to index
              %swap3A_108 = tpu.vector_load %arg11[%swap3A, %swap3A_107] {strides = array<i32>} : memref<64x64xf32, #tpu.memory_space<vmem>>, vector<1x16xf32>,
              %swap3A_109 = vector.shape_cast %swap3A_108 : vector<1x16xf32> to vector<16xf32>
              %swap3A_110 = vector.shape_cast %mul3A_106 : vector<16xf32> to vector<1x16xf32>
              tpu.vector_store %arg11[%swap3A, %swap3A_107], %swap3A_110 {strides = array<i32>} : memref<64x64xf32, #tpu.memory_space<vmem>>, vector<1x16xf32>,
            }
            %scan3A_98 = arith.constant 4 : i32
          }
          %scan3A_85 = arith.constant 16 : i32
        }
        %scan3A_61 = arith.constant 4 : i32
        "tpu.region"() ({
          %run_scoped3A = tpu.sem_alloc : memref<!tpu.dma_semaphore, #tpu.memory_space<semaphore_mem>>
          %dma_start3A = arith.constant 0 : i32
          %dma_start3A_62 = arith.constant 0 : i32
          %dma_start3A_63 = tpu.memref_slice %arg24[%dma_start3A, %dma_start3A_62] : memref<10240x64xf32, #tpu.memory_space<vmem_shared>> -> memref<10240x64xf32, #tpu.memory_space<vmem_shared>>
          tpu.enqueue_indirect_dma source(%arg11 : memref<64x64xf32, #tpu.memory_space<vmem>>) target(%dma_start3A_63 : memref<10240x64xf32, #tpu.memory_space<vmem_shared>>) offsets(%arg18 : memref<64xi32, #tpu.memory_space<vmem>>) semaphore(%run_scoped3A : memref<!tpu.dma_semaphore, #tpu.memory_space<semaphore_mem>>) {add = true}
          %dma_wait3A = arith.constant 0 : i32
          %dma_wait3A_64 = arith.constant 0 : i32
          %dma_wait3A_65 = tpu.memref_slice %arg24[%dma_wait3A, %dma_wait3A_64] : memref<10240x64xf32, #tpu.memory_space<vmem_shared>> -> memref<10240x64xf32, #tpu.memory_space<vmem_shared>>
          tpu.wait_indirect_dma semaphore(%run_scoped3A : memref<!tpu.dma_semaphore, #tpu.memory_space<semaphore_mem>>) src(%arg11 : memref<64x64xf32, #tpu.memory_space<vmem>>) dst(%dma_wait3A_65 : memref<10240x64xf32, #tpu.memory_space<vmem_shared>>)
          tpu.yield
        }) : () -> ()
      }
      %scan3A_42 = arith.constant 160 : i32
      %barrier3A_43 = arith.constant 0 : index
      tpu.barrier barrier_id(%barrier3A_43)
      %scan3A_44 = arith.constant 0 : i32
      %scan3A_45 = arith.constant 0 : i32
      %scan3A_46 = arith.constant 10 : i32
      %scan3A_47 = arith.addi %scan3A_45, %scan3A_46 : i32
      %scan3A_48 = arith.constant 1 : i32
      scf.for %scan3A_50 = %scan3A_45 to %scan3A_47 step %scan3A_48  : i32 {
        %scan3A_51 = arith.constant 0 : i32
        %scan3A_52 = arith.constant 0 : i32
        %scan3A_53 = arith.constant 4 : i32
        %scan3A_54 = arith.addi %scan3A_52, %scan3A_53 : i32
        %scan3A_55 = arith.constant 1 : i32
        scf.for %scan3A_65 = %scan3A_52 to %scan3A_54 step %scan3A_55  : i32 {
          %mul3A_66 = arith.constant 64 : i32
          %mul3A_67 = arith.muli %scan3A_50, %mul3A_66 : i32
          %add3A_68 = arith.addi %mul3A_4, %mul3A_67 : i32
          %mul3A_69 = arith.constant 16 : i32
          %mul3A_70 = arith.muli %scan3A_65, %mul3A_69 : i32
          %add3A_71 = arith.addi %add3A_68, %mul3A_70 : i32
          %broadcast_in_dim3A_72 = vector.broadcast %add3A_71 : i32 to vector<16xi32>
          %add3A_73 = arith.addi %iota3A, %broadcast_in_dim3A_72 : vector<16xi32>
          %mul3A_74 = arith.constant 16 : i32
          %mul3A_75 = arith.muli %scan3A_65, %mul3A_74 : i32
          %swap3A = arith.index_cast %mul3A_75 : i32 to index
          %swap3A_76 = tpu.vector_load %arg19[%swap3A] {strides = array<i32>} : memref<64xi32, #tpu.memory_space<vmem>>, vector<16xi32>,
          %swap3A_77 = vector.shape_cast %swap3A_76 : vector<16xi32> to vector<16xi32>
          %swap3A_78 = vector.shape_cast %add3A_73 : vector<16xi32> to vector<16xi32>
          tpu.vector_store %arg19[%swap3A], %swap3A_78 {strides = array<i32>} : memref<64xi32, #tpu.memory_space<vmem>>, vector<16xi32>,
        }
        %scan3A_56 = arith.constant 4 : i32
        "tpu.region"() ({
          %run_scoped3A = tpu.sem_alloc : memref<!tpu.dma_semaphore, #tpu.memory_space<semaphore_mem>>
          %dma_start3A = arith.constant 0 : i32
          %dma_start3A_65 = arith.constant 0 : i32
          %dma_start3A_66 = tpu.memref_slice %arg24[%dma_start3A, %dma_start3A_65] : memref<10240x64xf32, #tpu.memory_space<vmem_shared>> -> memref<10240x64xf32, #tpu.memory_space<vmem_shared>>
          tpu.enqueue_indirect_dma source(%dma_start3A_66 : memref<10240x64xf32, #tpu.memory_space<vmem_shared>>) target(%arg12 : memref<64x64xf32, #tpu.memory_space<vmem>>) offsets(%arg19 : memref<64xi32, #tpu.memory_space<vmem>>) semaphore(%run_scoped3A : memref<!tpu.dma_semaphore, #tpu.memory_space<semaphore_mem>>)
          %dma_wait3A = arith.constant 0 : i32
          %dma_wait3A_67 = arith.constant 0 : i32
          %dma_wait3A_68 = tpu.memref_slice %arg24[%dma_wait3A, %dma_wait3A_67] : memref<10240x64xf32, #tpu.memory_space<vmem_shared>> -> memref<10240x64xf32, #tpu.memory_space<vmem_shared>>
          tpu.wait_indirect_dma semaphore(%run_scoped3A : memref<!tpu.dma_semaphore, #tpu.memory_space<semaphore_mem>>) src(%dma_wait3A_68 : memref<10240x64xf32, #tpu.memory_space<vmem_shared>>) dst(%arg12 : memref<64x64xf32, #tpu.memory_space<vmem>>)
          tpu.yield
        }) : () -> ()
        %scan3A_57 = arith.constant 0 : i32
        %scan3A_58 = arith.constant 0 : i32
        %scan3A_59 = arith.constant 64 : i32
        %scan3A_60 = arith.addi %scan3A_58, %scan3A_59 : i32
        %scan3A_61 = arith.constant 1 : i32
        scf.for %scan3A_65 = %scan3A_58 to %scan3A_60 step %scan3A_61  : i32 {
          %scan3A_66 = arith.constant 0 : i32
          %scan3A_67 = arith.constant 0 : i32
          %scan3A_68 = arith.constant 4 : i32
          %scan3A_69 = arith.addi %scan3A_67, %scan3A_68 : i32
          %scan3A_70 = arith.constant 1 : i32
          scf.for %scan3A_78 = %scan3A_67 to %scan3A_69 step %scan3A_70  : i32 {
            %mul3A_79 = arith.constant 16 : i32
            %mul3A_80 = arith.muli %scan3A_78, %mul3A_79 : i32
            %get3A = arith.index_cast %scan3A_65 : i32 to index
            %get3A_81 = arith.index_cast %mul3A_80 : i32 to index
            %get3A_82 = tpu.vector_load %arg12[%get3A, %get3A_81] {strides = array<i32>} : memref<64x64xf32, #tpu.memory_space<vmem>>, vector<1x16xf32>,
            %get3A_83 = vector.shape_cast %get3A_82 : vector<1x16xf32> to vector<16xf32>
            %gt3A = arith.constant 0.000000e+00 : f32
            %gt3A_84 = vector.broadcast %gt3A : f32 to vector<16xf32>
            %gt3A_85 = arith.cmpf ogt, %get3A_83, %gt3A_84 : vector<16xf32>
            %get3A_86 = arith.index_cast %mul3A_80 : i32 to index
            %get3A_87 = tpu.vector_load %arg20[%get3A_86] {strides = array<i32>} : memref<64xf32, #tpu.memory_space<vmem>>, vector<16xf32>,
            %get3A_88 = vector.shape_cast %get3A_87 : vector<16xf32> to vector<16xf32>
            %jit3A = arith.constant 0.000000e+00 : f32
            %broadcast_in_dim3A_89 = vector.broadcast %jit3A : f32 to vector<16xf32>
            %select_n3A = arith.select %gt3A_85, %get3A_88, %broadcast_in_dim3A_89 : vector<16xi1>, vector<16xf32>
            %swap3A = arith.index_cast %scan3A_65 : i32 to index
            %swap3A_90 = arith.index_cast %mul3A_80 : i32 to index
            %swap3A_91 = tpu.vector_load %arg13[%swap3A, %swap3A_90] {strides = array<i32>} : memref<64x128xf32, #tpu.memory_space<vmem>>, vector<1x16xf32>,
            %swap3A_92 = vector.shape_cast %swap3A_91 : vector<1x16xf32> to vector<16xf32>
            %swap3A_93 = vector.shape_cast %select_n3A : vector<16xf32> to vector<1x16xf32>
            tpu.vector_store %arg13[%swap3A, %swap3A_90], %swap3A_93 {strides = array<i32>} : memref<64x128xf32, #tpu.memory_space<vmem>>, vector<1x16xf32>,
          }
          %scan3A_71 = arith.constant 4 : i32
          %scan3A_72 = arith.constant 0 : i32
          %scan3A_73 = arith.constant 0 : i32
          %scan3A_74 = arith.constant 4 : i32
          %scan3A_75 = arith.addi %scan3A_73, %scan3A_74 : i32
          %scan3A_76 = arith.constant 1 : i32
          scf.for %scan3A_78 = %scan3A_73 to %scan3A_75 step %scan3A_76  : i32 {
            %mul3A_79 = arith.constant 16 : i32
            %mul3A_80 = arith.muli %scan3A_78, %mul3A_79 : i32
            %add3A_81 = arith.constant 64 : i32
            %add3A_82 = arith.addi %add3A_81, %mul3A_80 : i32
            %swap3A = arith.index_cast %scan3A_65 : i32 to index
            %swap3A_83 = arith.index_cast %add3A_82 : i32 to index
            %swap3A_84 = tpu.vector_load %arg13[%swap3A, %swap3A_83] {strides = array<i32>} : memref<64x128xf32, #tpu.memory_space<vmem>>, vector<1x16xf32>,
            %swap3A_85 = vector.shape_cast %swap3A_84 : vector<1x16xf32> to vector<16xf32>
            %swap3A_86 = vector.shape_cast %broadcast_in_dim3A_5 : vector<16xf32> to vector<1x16xf32>
            tpu.vector_store %arg13[%swap3A, %swap3A_83], %swap3A_86 {strides = array<i32>} : memref<64x128xf32, #tpu.memory_space<vmem>>, vector<1x16xf32>,
          }
          %scan3A_77 = arith.constant 4 : i32
        }
        %scan3A_62 = arith.constant 64 : i32
        %mul3A_63 = arith.constant 64 : i32
        %mul3A_64 = arith.muli %scan3A_50, %mul3A_63 : i32
        %add3A = arith.addi %mul3A_4, %mul3A_64 : i32
        "tpu.region"() ({
          %run_scoped3A = tpu.sem_alloc : memref<!tpu.dma_semaphore, #tpu.memory_space<semaphore_mem>>
          %dma_start3A = arith.constant 0 : i32
          %dma_start3A_65 = tpu.memref_slice %arg7[%add3A, %dma_start3A] : memref<10240x128xf32, #tpu.memory_space<hbm>> -> memref<64x128xf32, #tpu.memory_space<hbm>>
          %dma_start3A_66 = arith.constant 0 : i32
          %dma_start3A_67 = tpu.memref_slice %arg7[%add3A, %dma_start3A_66] : memref<10240x128xf32, #tpu.memory_space<hbm>> -> memref<64x128xf32, #tpu.memory_space<hbm>>
          tpu.enqueue_dma source(%arg13 : memref<64x128xf32, #tpu.memory_space<vmem>>) target(%dma_start3A_67 : memref<64x128xf32, #tpu.memory_space<hbm>>) target_semaphore(%run_scoped3A : memref<!tpu.dma_semaphore, #tpu.memory_space<semaphore_mem>>)
          %dma_wait3A = arith.constant 0 : i32
          %dma_wait3A_68 = tpu.memref_slice %arg7[%add3A, %dma_wait3A] : memref<10240x128xf32, #tpu.memory_space<hbm>> -> memref<64x128xf32, #tpu.memory_space<hbm>>
          %dma_wait3A_69 = arith.constant 0 : i32
          %dma_wait3A_70 = tpu.memref_slice %arg7[%add3A, %dma_wait3A_69] : memref<10240x128xf32, #tpu.memory_space<hbm>> -> memref<64x128xf32, #tpu.memory_space<hbm>>
          tpu.wait_dma2 semaphore(%run_scoped3A : memref<!tpu.dma_semaphore, #tpu.memory_space<semaphore_mem>>) src(%arg13 : memref<64x128xf32, #tpu.memory_space<vmem>>) dst(%dma_wait3A_70 : memref<64x128xf32, #tpu.memory_space<hbm>>)
          tpu.yield
        }) : () -> ()
      }
      %scan3A_49 = arith.constant 10 : i32
    } else {
    }
    return
  }
}

#map = affine_map<(d0, d1) -> (0)>
#map1 = affine_map<(d0, d1) -> (0, 0)>
module attributes {stable_mosaic.version = 14 : i64} {
  func.func @_kb_body(%arg0: i32, %arg1: i32, %arg2: memref<163840xf32, #tpu.memory_space<hbm>>, %arg3: memref<2560x64xi32, #tpu.memory_space<hbm>>, %arg4: memref<2560x64xi32, #tpu.memory_space<hbm>>, %arg5: memref<10240x128xf32, #tpu.memory_space<hbm>>, %arg6: memref<10240x128xf32, #tpu.memory_space<hbm>>, %arg7: memref<10240xf32, #tpu.memory_space<hbm>>, %arg8: memref<16xf32, #tpu.memory_space<hbm>>, %arg9: memref<163840xf32, #tpu.memory_space<hbm>>, %arg10: memref<10240xf32, #tpu.memory_space<vmem>>, %arg11: memref<10240xf32, #tpu.memory_space<vmem>>, %arg12: memref<64x128xf32, #tpu.memory_space<vmem>>, %arg13: memref<64x128xf32, #tpu.memory_space<vmem>>, %arg14: memref<640xf32, #tpu.memory_space<vmem>>, %arg15: memref<640xf32, #tpu.memory_space<vmem>>, %arg16: memref<64xf32, #tpu.memory_space<vmem>>, %arg17: memref<64xf32, #tpu.memory_space<vmem>>, %arg18: memref<64xf32, #tpu.memory_space<vmem>>, %arg19: memref<64xf32, #tpu.memory_space<vmem>>, %arg20: memref<64xf32, #tpu.memory_space<vmem>>, %arg21: memref<64xi32, #tpu.memory_space<vmem>>, %arg22: memref<64xi32, #tpu.memory_space<vmem>>, %arg23: memref<16xf32, #tpu.memory_space<vmem>>, %arg24: memref<16xf32, #tpu.memory_space<vmem>>, %arg25: memref<256xf32, #tpu.memory_space<vmem>>, %arg26: memref<10240xf32, #tpu.memory_space<vmem_shared>>, %arg27: memref<10240xf32, #tpu.memory_space<vmem_shared>>, %arg28: memref<10240xf32, #tpu.memory_space<vmem_shared>>, %arg29: memref<256xf32, #tpu.memory_space<vmem_shared>>) attributes {dimension_semantics = [#tpu.dimension_semantics<core_parallel>, #tpu.dimension_semantics<subcore_parallel>], iteration_bounds = array<i64: 2, 16>, scalar_prefetch = 0 : i64, scratch_operands = 20 : i64, tpu.core_type = #tpu.core_type<sc_vector_subcore>, window_params = [{transform_indices = #map}, {transform_indices = #map1}, {transform_indices = #map1}, {transform_indices = #map1}, {transform_indices = #map1}, {transform_indices = #map}, {transform_indices = #map}, {transform_indices = #map}]} {
    %eq3A = arith.constant 0 : i32
    %eq3A_0 = arith.cmpi eq, %arg0, %eq3A : i32
    %convert_element_type3A = arith.extui %eq3A_0 : i1 to i32
    %cond3A = arith.constant 0 : i32
    %cond3A_1 = arith.cmpi ne, %convert_element_type3A, %cond3A : i32
    scf.if %cond3A_1 {
      %mul3A = arith.constant 10240 : i32
      %mul3A_2 = arith.muli %arg1, %mul3A : i32
      %mul3A_3 = arith.constant 640 : i32
      %mul3A_4 = arith.muli %arg1, %mul3A_3 : i32
      %iota3A = tpu.iota {dimensions = array<i32: 0>} : vector<16xi32>
      %broadcast_in_dim3A = arith.constant 0.000000e+00 : f32
      %broadcast_in_dim3A_5 = vector.broadcast %broadcast_in_dim3A : f32 to vector<16xf32>
      "tpu.region"() ({
        %run_scoped3A = tpu.sem_alloc : memref<!tpu.dma_semaphore, #tpu.memory_space<semaphore_mem>>
        %dma_start3A = tpu.memref_slice %arg2[%mul3A_2] : memref<163840xf32, #tpu.memory_space<hbm>> -> memref<10240xf32, #tpu.memory_space<hbm>>
        %dma_start3A_95 = tpu.memref_slice %arg2[%mul3A_2] : memref<163840xf32, #tpu.memory_space<hbm>> -> memref<10240xf32, #tpu.memory_space<hbm>>
        tpu.enqueue_dma source(%dma_start3A_95 : memref<10240xf32, #tpu.memory_space<hbm>>) target(%arg10 : memref<10240xf32, #tpu.memory_space<vmem>>) target_semaphore(%run_scoped3A : memref<!tpu.dma_semaphore, #tpu.memory_space<semaphore_mem>>)
        %dma_wait3A = tpu.memref_slice %arg2[%mul3A_2] : memref<163840xf32, #tpu.memory_space<hbm>> -> memref<10240xf32, #tpu.memory_space<hbm>>
        %dma_wait3A_96 = tpu.memref_slice %arg2[%mul3A_2] : memref<163840xf32, #tpu.memory_space<hbm>> -> memref<10240xf32, #tpu.memory_space<hbm>>
        tpu.wait_dma2 semaphore(%run_scoped3A : memref<!tpu.dma_semaphore, #tpu.memory_space<semaphore_mem>>) src(%dma_wait3A_96 : memref<10240xf32, #tpu.memory_space<hbm>>) dst(%arg10 : memref<10240xf32, #tpu.memory_space<vmem>>)
        tpu.yield
      }) : () -> ()
      "tpu.region"() ({
        %run_scoped3A = tpu.sem_alloc : memref<!tpu.dma_semaphore, #tpu.memory_space<semaphore_mem>>
        tpu.enqueue_dma source(%arg8 : memref<16xf32, #tpu.memory_space<hbm>>) target(%arg23 : memref<16xf32, #tpu.memory_space<vmem>>) target_semaphore(%run_scoped3A : memref<!tpu.dma_semaphore, #tpu.memory_space<semaphore_mem>>)
        tpu.wait_dma2 semaphore(%run_scoped3A : memref<!tpu.dma_semaphore, #tpu.memory_space<semaphore_mem>>) src(%arg8 : memref<16xf32, #tpu.memory_space<hbm>>) dst(%arg23 : memref<16xf32, #tpu.memory_space<vmem>>)
        tpu.yield
      }) : () -> ()
      "tpu.region"() ({
        %run_scoped3A = tpu.sem_alloc : memref<!tpu.dma_semaphore, #tpu.memory_space<semaphore_mem>>
        %dma_start3A = tpu.memref_slice %arg7[%mul3A_4] : memref<10240xf32, #tpu.memory_space<hbm>> -> memref<640xf32, #tpu.memory_space<hbm>>
        %dma_start3A_95 = tpu.memref_slice %arg7[%mul3A_4] : memref<10240xf32, #tpu.memory_space<hbm>> -> memref<640xf32, #tpu.memory_space<hbm>>
        tpu.enqueue_dma source(%dma_start3A_95 : memref<640xf32, #tpu.memory_space<hbm>>) target(%arg14 : memref<640xf32, #tpu.memory_space<vmem>>) target_semaphore(%run_scoped3A : memref<!tpu.dma_semaphore, #tpu.memory_space<semaphore_mem>>)
        %dma_wait3A = tpu.memref_slice %arg7[%mul3A_4] : memref<10240xf32, #tpu.memory_space<hbm>> -> memref<640xf32, #tpu.memory_space<hbm>>
        %dma_wait3A_96 = tpu.memref_slice %arg7[%mul3A_4] : memref<10240xf32, #tpu.memory_space<hbm>> -> memref<640xf32, #tpu.memory_space<hbm>>
        tpu.wait_dma2 semaphore(%run_scoped3A : memref<!tpu.dma_semaphore, #tpu.memory_space<semaphore_mem>>) src(%dma_wait3A_96 : memref<640xf32, #tpu.memory_space<hbm>>) dst(%arg14 : memref<640xf32, #tpu.memory_space<vmem>>)
        tpu.yield
      }) : () -> ()
      "tpu.region"() ({
        %run_scoped3A = tpu.sem_alloc : memref<!tpu.dma_semaphore, #tpu.memory_space<semaphore_mem>>
        %dma_start3A = tpu.memref_slice %arg26[%mul3A_4] : memref<10240xf32, #tpu.memory_space<vmem_shared>> -> memref<640xf32, #tpu.memory_space<vmem_shared>>
        %dma_start3A_95 = tpu.memref_slice %arg26[%mul3A_4] : memref<10240xf32, #tpu.memory_space<vmem_shared>> -> memref<640xf32, #tpu.memory_space<vmem_shared>>
        tpu.enqueue_dma source(%arg14 : memref<640xf32, #tpu.memory_space<vmem>>) target(%dma_start3A_95 : memref<640xf32, #tpu.memory_space<vmem_shared>>) target_semaphore(%run_scoped3A : memref<!tpu.dma_semaphore, #tpu.memory_space<semaphore_mem>>)
        %dma_wait3A = tpu.memref_slice %arg26[%mul3A_4] : memref<10240xf32, #tpu.memory_space<vmem_shared>> -> memref<640xf32, #tpu.memory_space<vmem_shared>>
        %dma_wait3A_96 = tpu.memref_slice %arg26[%mul3A_4] : memref<10240xf32, #tpu.memory_space<vmem_shared>> -> memref<640xf32, #tpu.memory_space<vmem_shared>>
        tpu.wait_dma2 semaphore(%run_scoped3A : memref<!tpu.dma_semaphore, #tpu.memory_space<semaphore_mem>>) src(%arg14 : memref<640xf32, #tpu.memory_space<vmem>>) dst(%dma_wait3A_96 : memref<640xf32, #tpu.memory_space<vmem_shared>>)
        tpu.yield
      }) : () -> ()
      %scan3A = arith.constant 0 : i32
      %scan3A_6 = arith.constant 0 : i32
      %scan3A_7 = arith.constant 40 : i32
      %scan3A_8 = arith.addi %scan3A_6, %scan3A_7 : i32
      %scan3A_9 = arith.constant 1 : i32
      scf.for %scan3A_95 = %scan3A_6 to %scan3A_8 step %scan3A_9  : i32 {
        %mul3A_96 = arith.constant 16 : i32
        %mul3A_97 = arith.muli %scan3A_95, %mul3A_96 : i32
        %get3A_98 = arith.index_cast %mul3A_97 : i32 to index
        %get3A_99 = tpu.vector_load %arg14[%get3A_98] {strides = array<i32>} : memref<640xf32, #tpu.memory_space<vmem>>, vector<16xf32>,
        %get3A_100 = vector.shape_cast %get3A_99 : vector<16xf32> to vector<16xf32>
        %swap3A_101 = arith.index_cast %mul3A_97 : i32 to index
        %swap3A_102 = tpu.vector_load %arg15[%swap3A_101] {strides = array<i32>} : memref<640xf32, #tpu.memory_space<vmem>>, vector<16xf32>,
        %swap3A_103 = vector.shape_cast %swap3A_102 : vector<16xf32> to vector<16xf32>
        %swap3A_104 = vector.shape_cast %get3A_100 : vector<16xf32> to vector<16xf32>
        tpu.vector_store %arg15[%swap3A_101], %swap3A_104 {strides = array<i32>} : memref<640xf32, #tpu.memory_space<vmem>>, vector<16xf32>,
      }
      %scan3A_10 = arith.constant 40 : i32
      %scan3A_11 = arith.constant 0 : i32
      %scan3A_12 = arith.constant 0 : i32
      %scan3A_13 = arith.constant 40 : i32
      %scan3A_14 = arith.addi %scan3A_12, %scan3A_13 : i32
      %scan3A_15 = arith.constant 1 : i32
      scf.for %scan3A_95 = %scan3A_12 to %scan3A_14 step %scan3A_15  : i32 {
        %mul3A_96 = arith.constant 16 : i32
        %mul3A_97 = arith.muli %scan3A_95, %mul3A_96 : i32
        %swap3A_98 = arith.index_cast %mul3A_97 : i32 to index
        %swap3A_99 = tpu.vector_load %arg14[%swap3A_98] {strides = array<i32>} : memref<640xf32, #tpu.memory_space<vmem>>, vector<16xf32>,
        %swap3A_100 = vector.shape_cast %swap3A_99 : vector<16xf32> to vector<16xf32>
        %swap3A_101 = vector.shape_cast %broadcast_in_dim3A_5 : vector<16xf32> to vector<16xf32>
        tpu.vector_store %arg14[%swap3A_98], %swap3A_101 {strides = array<i32>} : memref<640xf32, #tpu.memory_space<vmem>>, vector<16xf32>,
      }
      %scan3A_16 = arith.constant 40 : i32
      "tpu.region"() ({
        %run_scoped3A = tpu.sem_alloc : memref<!tpu.dma_semaphore, #tpu.memory_space<semaphore_mem>>
        %dma_start3A = tpu.memref_slice %arg27[%mul3A_4] : memref<10240xf32, #tpu.memory_space<vmem_shared>> -> memref<640xf32, #tpu.memory_space<vmem_shared>>
        %dma_start3A_95 = tpu.memref_slice %arg27[%mul3A_4] : memref<10240xf32, #tpu.memory_space<vmem_shared>> -> memref<640xf32, #tpu.memory_space<vmem_shared>>
        tpu.enqueue_dma source(%arg14 : memref<640xf32, #tpu.memory_space<vmem>>) target(%dma_start3A_95 : memref<640xf32, #tpu.memory_space<vmem_shared>>) target_semaphore(%run_scoped3A : memref<!tpu.dma_semaphore, #tpu.memory_space<semaphore_mem>>)
        %dma_wait3A = tpu.memref_slice %arg27[%mul3A_4] : memref<10240xf32, #tpu.memory_space<vmem_shared>> -> memref<640xf32, #tpu.memory_space<vmem_shared>>
        %dma_wait3A_96 = tpu.memref_slice %arg27[%mul3A_4] : memref<10240xf32, #tpu.memory_space<vmem_shared>> -> memref<640xf32, #tpu.memory_space<vmem_shared>>
        tpu.wait_dma2 semaphore(%run_scoped3A : memref<!tpu.dma_semaphore, #tpu.memory_space<semaphore_mem>>) src(%arg14 : memref<640xf32, #tpu.memory_space<vmem>>) dst(%dma_wait3A_96 : memref<640xf32, #tpu.memory_space<vmem_shared>>)
        tpu.yield
      }) : () -> ()
      %broadcast_in_dim3A_17 = arith.constant 0.000000e+00 : f32
      %broadcast_in_dim3A_18 = vector.broadcast %broadcast_in_dim3A_17 : f32 to vector<16xf32>
      %scan3A_19 = arith.constant 0 : i32
      %scan3A_20 = arith.constant 640 : i32
      %scan3A_21 = arith.addi %scan3A_19, %scan3A_20 : i32
      %scan3A_22 = arith.constant 1 : i32
      %scan3A_23 = scf.for %scan3A_95 = %scan3A_19 to %scan3A_21 step %scan3A_22 iter_args(%scan3A_96 = %broadcast_in_dim3A_18) -> (vector<16xf32>)  : i32 {
        %mul3A_97 = arith.constant 16 : i32
        %mul3A_98 = arith.muli %scan3A_95, %mul3A_97 : i32
        %get3A_99 = arith.index_cast %mul3A_98 : i32 to index
        %get3A_100 = tpu.vector_load %arg10[%get3A_99] {strides = array<i32>} : memref<10240xf32, #tpu.memory_space<vmem>>, vector<16xf32>,
        %get3A_101 = vector.shape_cast %get3A_100 : vector<16xf32> to vector<16xf32>
        %add3A_102 = arith.addf %scan3A_96, %get3A_101 : vector<16xf32>
        scf.yield %add3A_102 : vector<16xf32>
      }
      %scan3A_24 = arith.constant 640 : i32
      %swap3A = arith.constant 0 : index
      %swap3A_25 = tpu.vector_load %arg24[%swap3A] {strides = array<i32>} : memref<16xf32, #tpu.memory_space<vmem>>, vector<16xf32>,
      %swap3A_26 = vector.shape_cast %swap3A_25 : vector<16xf32> to vector<16xf32>
      %swap3A_27 = vector.shape_cast %scan3A_23 : vector<16xf32> to vector<16xf32>
      tpu.vector_store %arg24[%swap3A], %swap3A_27 {strides = array<i32>} : memref<16xf32, #tpu.memory_space<vmem>>, vector<16xf32>,
      %mul3A_28 = arith.constant 16 : i32
      %mul3A_29 = arith.muli %arg1, %mul3A_28 : i32
      "tpu.region"() ({
        %run_scoped3A = tpu.sem_alloc : memref<!tpu.dma_semaphore, #tpu.memory_space<semaphore_mem>>
        %dma_start3A = tpu.memref_slice %arg29[%mul3A_29] : memref<256xf32, #tpu.memory_space<vmem_shared>> -> memref<16xf32, #tpu.memory_space<vmem_shared>>
        %dma_start3A_95 = tpu.memref_slice %arg29[%mul3A_29] : memref<256xf32, #tpu.memory_space<vmem_shared>> -> memref<16xf32, #tpu.memory_space<vmem_shared>>
        tpu.enqueue_dma source(%arg24 : memref<16xf32, #tpu.memory_space<vmem>>) target(%dma_start3A_95 : memref<16xf32, #tpu.memory_space<vmem_shared>>) target_semaphore(%run_scoped3A : memref<!tpu.dma_semaphore, #tpu.memory_space<semaphore_mem>>)
        %dma_wait3A = tpu.memref_slice %arg29[%mul3A_29] : memref<256xf32, #tpu.memory_space<vmem_shared>> -> memref<16xf32, #tpu.memory_space<vmem_shared>>
        %dma_wait3A_96 = tpu.memref_slice %arg29[%mul3A_29] : memref<256xf32, #tpu.memory_space<vmem_shared>> -> memref<16xf32, #tpu.memory_space<vmem_shared>>
        tpu.wait_dma2 semaphore(%run_scoped3A : memref<!tpu.dma_semaphore, #tpu.memory_space<semaphore_mem>>) src(%arg24 : memref<16xf32, #tpu.memory_space<vmem>>) dst(%dma_wait3A_96 : memref<16xf32, #tpu.memory_space<vmem_shared>>)
        tpu.yield
      }) : () -> ()
      %barrier3A = arith.constant 0 : index
      tpu.barrier barrier_id(%barrier3A)
      "tpu.region"() ({
        %run_scoped3A = tpu.sem_alloc : memref<!tpu.dma_semaphore, #tpu.memory_space<semaphore_mem>>
        tpu.enqueue_dma source(%arg29 : memref<256xf32, #tpu.memory_space<vmem_shared>>) target(%arg25 : memref<256xf32, #tpu.memory_space<vmem>>) target_semaphore(%run_scoped3A : memref<!tpu.dma_semaphore, #tpu.memory_space<semaphore_mem>>)
        tpu.wait_dma2 semaphore(%run_scoped3A : memref<!tpu.dma_semaphore, #tpu.memory_space<semaphore_mem>>) src(%arg29 : memref<256xf32, #tpu.memory_space<vmem_shared>>) dst(%arg25 : memref<256xf32, #tpu.memory_space<vmem>>)
        tpu.yield
      }) : () -> ()
      %broadcast_in_dim3A_30 = arith.constant 0.000000e+00 : f32
      %broadcast_in_dim3A_31 = vector.broadcast %broadcast_in_dim3A_30 : f32 to vector<16xf32>
      %scan3A_32 = arith.constant 0 : i32
      %scan3A_33 = arith.constant 16 : i32
      %scan3A_34 = arith.addi %scan3A_32, %scan3A_33 : i32
      %scan3A_35 = arith.constant 1 : i32
      %scan3A_36 = scf.for %scan3A_95 = %scan3A_32 to %scan3A_34 step %scan3A_35 iter_args(%scan3A_96 = %broadcast_in_dim3A_31) -> (vector<16xf32>)  : i32 {
        %mul3A_97 = arith.constant 16 : i32
        %mul3A_98 = arith.muli %scan3A_95, %mul3A_97 : i32
        %get3A_99 = arith.index_cast %mul3A_98 : i32 to index
        %get3A_100 = tpu.vector_load %arg25[%get3A_99] {strides = array<i32>} : memref<256xf32, #tpu.memory_space<vmem>>, vector<16xf32>,
        %get3A_101 = vector.shape_cast %get3A_100 : vector<16xf32> to vector<16xf32>
        %add3A_102 = arith.addf %scan3A_96, %get3A_101 : vector<16xf32>
        scf.yield %add3A_102 : vector<16xf32>
      }
      %scan3A_37 = arith.constant 16 : i32
      %iota3A_38 = tpu.iota {dimensions = array<i32: 0>} : vector<16xi32>
      %xor3A = arith.constant 8 : i32
      %xor3A_39 = vector.broadcast %xor3A : i32 to vector<16xi32>
      %xor3A_40 = arith.xori %iota3A_38, %xor3A_39 : vector<16xi32>
      %broadcast_in_dim3A_41 = vector.shape_cast %xor3A_40 : vector<16xi32> to vector<16x1xi32>
      %gather3A = vector.shape_cast %broadcast_in_dim3A_41 : vector<16x1xi32> to vector<16xi32>
      %gather3A_42 = tpu.dynamic_gather %scan3A_36[%gather3A] in [0] : vector<16xf32>, vector<16xi32> -> vector<16xf32>
      %add3A = arith.addf %scan3A_36, %gather3A_42 : vector<16xf32>
      %xor3A_43 = arith.constant 4 : i32
      %xor3A_44 = vector.broadcast %xor3A_43 : i32 to vector<16xi32>
      %xor3A_45 = arith.xori %iota3A_38, %xor3A_44 : vector<16xi32>
      %broadcast_in_dim3A_46 = vector.shape_cast %xor3A_45 : vector<16xi32> to vector<16x1xi32>
      %gather3A_47 = vector.shape_cast %broadcast_in_dim3A_46 : vector<16x1xi32> to vector<16xi32>
      %gather3A_48 = tpu.dynamic_gather %add3A[%gather3A_47] in [0] : vector<16xf32>, vector<16xi32> -> vector<16xf32>
      %add3A_49 = arith.addf %add3A, %gather3A_48 : vector<16xf32>
      %xor3A_50 = arith.constant 2 : i32
      %xor3A_51 = vector.broadcast %xor3A_50 : i32 to vector<16xi32>
      %xor3A_52 = arith.xori %iota3A_38, %xor3A_51 : vector<16xi32>
      %broadcast_in_dim3A_53 = vector.shape_cast %xor3A_52 : vector<16xi32> to vector<16x1xi32>
      %gather3A_54 = vector.shape_cast %broadcast_in_dim3A_53 : vector<16x1xi32> to vector<16xi32>
      %gather3A_55 = tpu.dynamic_gather %add3A_49[%gather3A_54] in [0] : vector<16xf32>, vector<16xi32> -> vector<16xf32>
      %add3A_56 = arith.addf %add3A_49, %gather3A_55 : vector<16xf32>
      %xor3A_57 = arith.constant 1 : i32
      %xor3A_58 = vector.broadcast %xor3A_57 : i32 to vector<16xi32>
      %xor3A_59 = arith.xori %iota3A_38, %xor3A_58 : vector<16xi32>
      %broadcast_in_dim3A_60 = vector.shape_cast %xor3A_59 : vector<16xi32> to vector<16x1xi32>
      %gather3A_61 = vector.shape_cast %broadcast_in_dim3A_60 : vector<16x1xi32> to vector<16xi32>
      %gather3A_62 = tpu.dynamic_gather %add3A_56[%gather3A_61] in [0] : vector<16xf32>, vector<16xi32> -> vector<16xf32>
      %add3A_63 = arith.addf %add3A_56, %gather3A_62 : vector<16xf32>
      %scan3A_64 = arith.constant 0 : i32
      %scan3A_65 = arith.constant 0 : i32
      %scan3A_66 = arith.constant 160 : i32
      %scan3A_67 = arith.addi %scan3A_65, %scan3A_66 : i32
      %scan3A_68 = arith.constant 1 : i32
      scf.for %scan3A_95 = %scan3A_65 to %scan3A_67 step %scan3A_68  : i32 {
        %mul3A_96 = arith.constant 160 : i32
        %mul3A_97 = arith.muli %arg1, %mul3A_96 : i32
        %add3A_98 = arith.addi %mul3A_97, %scan3A_95 : i32
        "tpu.region"() ({
          %run_scoped3A = tpu.sem_alloc : memref<!tpu.dma_semaphore, #tpu.memory_space<semaphore_mem>>
          %dma_start3A = arith.constant 0 : i32
          %dma_start3A_108 = tpu.memref_slice %arg3[%add3A_98, %dma_start3A] : memref<2560x64xi32, #tpu.memory_space<hbm>> -> memref<1x64xi32, #tpu.memory_space<hbm>>
          %dma_start3A_109 = tpu.memref_squeeze %dma_start3A_108 : memref<1x64xi32, #tpu.memory_space<hbm>> -> memref<64xi32, #tpu.memory_space<hbm>>
          %dma_start3A_110 = arith.constant 0 : i32
          %dma_start3A_111 = tpu.memref_slice %arg3[%add3A_98, %dma_start3A_110] : memref<2560x64xi32, #tpu.memory_space<hbm>> -> memref<1x64xi32, #tpu.memory_space<hbm>>
          %dma_start3A_112 = tpu.memref_squeeze %dma_start3A_111 : memref<1x64xi32, #tpu.memory_space<hbm>> -> memref<64xi32, #tpu.memory_space<hbm>>
          tpu.enqueue_dma source(%dma_start3A_112 : memref<64xi32, #tpu.memory_space<hbm>>) target(%arg21 : memref<64xi32, #tpu.memory_space<vmem>>) target_semaphore(%run_scoped3A : memref<!tpu.dma_semaphore, #tpu.memory_space<semaphore_mem>>)
          %dma_wait3A = arith.constant 0 : i32
          %dma_wait3A_113 = tpu.memref_slice %arg3[%add3A_98, %dma_wait3A] : memref<2560x64xi32, #tpu.memory_space<hbm>> -> memref<1x64xi32, #tpu.memory_space<hbm>>
          %dma_wait3A_114 = tpu.memref_squeeze %dma_wait3A_113 : memref<1x64xi32, #tpu.memory_space<hbm>> -> memref<64xi32, #tpu.memory_space<hbm>>
          %dma_wait3A_115 = arith.constant 0 : i32
          %dma_wait3A_116 = tpu.memref_slice %arg3[%add3A_98, %dma_wait3A_115] : memref<2560x64xi32, #tpu.memory_space<hbm>> -> memref<1x64xi32, #tpu.memory_space<hbm>>
          %dma_wait3A_117 = tpu.memref_squeeze %dma_wait3A_116 : memref<1x64xi32, #tpu.memory_space<hbm>> -> memref<64xi32, #tpu.memory_space<hbm>>
          tpu.wait_dma2 semaphore(%run_scoped3A : memref<!tpu.dma_semaphore, #tpu.memory_space<semaphore_mem>>) src(%dma_wait3A_117 : memref<64xi32, #tpu.memory_space<hbm>>) dst(%arg21 : memref<64xi32, #tpu.memory_space<vmem>>)
          tpu.yield
        }) : () -> ()
        %mul3A_99 = arith.constant 160 : i32
        %mul3A_100 = arith.muli %arg1, %mul3A_99 : i32
        %add3A_101 = arith.addi %mul3A_100, %scan3A_95 : i32
        "tpu.region"() ({
          %run_scoped3A = tpu.sem_alloc : memref<!tpu.dma_semaphore, #tpu.memory_space<semaphore_mem>>
          %dma_start3A = arith.constant 0 : i32
          %dma_start3A_108 = tpu.memref_slice %arg4[%add3A_101, %dma_start3A] : memref<2560x64xi32, #tpu.memory_space<hbm>> -> memref<1x64xi32, #tpu.memory_space<hbm>>
          %dma_start3A_109 = tpu.memref_squeeze %dma_start3A_108 : memref<1x64xi32, #tpu.memory_space<hbm>> -> memref<64xi32, #tpu.memory_space<hbm>>
          %dma_start3A_110 = arith.constant 0 : i32
          %dma_start3A_111 = tpu.memref_slice %arg4[%add3A_101, %dma_start3A_110] : memref<2560x64xi32, #tpu.memory_space<hbm>> -> memref<1x64xi32, #tpu.memory_space<hbm>>
          %dma_start3A_112 = tpu.memref_squeeze %dma_start3A_111 : memref<1x64xi32, #tpu.memory_space<hbm>> -> memref<64xi32, #tpu.memory_space<hbm>>
          tpu.enqueue_dma source(%dma_start3A_112 : memref<64xi32, #tpu.memory_space<hbm>>) target(%arg22 : memref<64xi32, #tpu.memory_space<vmem>>) target_semaphore(%run_scoped3A : memref<!tpu.dma_semaphore, #tpu.memory_space<semaphore_mem>>)
          %dma_wait3A = arith.constant 0 : i32
          %dma_wait3A_113 = tpu.memref_slice %arg4[%add3A_101, %dma_wait3A] : memref<2560x64xi32, #tpu.memory_space<hbm>> -> memref<1x64xi32, #tpu.memory_space<hbm>>
          %dma_wait3A_114 = tpu.memref_squeeze %dma_wait3A_113 : memref<1x64xi32, #tpu.memory_space<hbm>> -> memref<64xi32, #tpu.memory_space<hbm>>
          %dma_wait3A_115 = arith.constant 0 : i32
          %dma_wait3A_116 = tpu.memref_slice %arg4[%add3A_101, %dma_wait3A_115] : memref<2560x64xi32, #tpu.memory_space<hbm>> -> memref<1x64xi32, #tpu.memory_space<hbm>>
          %dma_wait3A_117 = tpu.memref_squeeze %dma_wait3A_116 : memref<1x64xi32, #tpu.memory_space<hbm>> -> memref<64xi32, #tpu.memory_space<hbm>>
          tpu.wait_dma2 semaphore(%run_scoped3A : memref<!tpu.dma_semaphore, #tpu.memory_space<semaphore_mem>>) src(%dma_wait3A_117 : memref<64xi32, #tpu.memory_space<hbm>>) dst(%arg22 : memref<64xi32, #tpu.memory_space<vmem>>)
          tpu.yield
        }) : () -> ()
        "tpu.region"() ({
          %run_scoped3A = tpu.sem_alloc : memref<!tpu.dma_semaphore, #tpu.memory_space<semaphore_mem>>
          %dma_start3A = arith.constant 0 : i32
          %dma_start3A_108 = arith.constant 0 : i32
          %dma_start3A_109 = tpu.memref_slice %arg5[%dma_start3A, %dma_start3A_108] : memref<10240x128xf32, #tpu.memory_space<hbm>> -> memref<10240x128xf32, #tpu.memory_space<hbm>>
          tpu.enqueue_indirect_dma source(%dma_start3A_109 : memref<10240x128xf32, #tpu.memory_space<hbm>>) target(%arg12 : memref<64x128xf32, #tpu.memory_space<vmem>>) offsets(%arg21 : memref<64xi32, #tpu.memory_space<vmem>>) semaphore(%run_scoped3A : memref<!tpu.dma_semaphore, #tpu.memory_space<semaphore_mem>>)
          %dma_wait3A = arith.constant 0 : i32
          %dma_wait3A_110 = arith.constant 0 : i32
          %dma_wait3A_111 = tpu.memref_slice %arg5[%dma_wait3A, %dma_wait3A_110] : memref<10240x128xf32, #tpu.memory_space<hbm>> -> memref<10240x128xf32, #tpu.memory_space<hbm>>
          tpu.wait_indirect_dma semaphore(%run_scoped3A : memref<!tpu.dma_semaphore, #tpu.memory_space<semaphore_mem>>) src(%dma_wait3A_111 : memref<10240x128xf32, #tpu.memory_space<hbm>>) dst(%arg12 : memref<64x128xf32, #tpu.memory_space<vmem>>)
          tpu.yield
        }) : () -> ()
        "tpu.region"() ({
          %run_scoped3A = tpu.sem_alloc : memref<!tpu.dma_semaphore, #tpu.memory_space<semaphore_mem>>
          %dma_start3A = arith.constant 0 : i32
          %dma_start3A_108 = arith.constant 0 : i32
          %dma_start3A_109 = tpu.memref_slice %arg6[%dma_start3A, %dma_start3A_108] : memref<10240x128xf32, #tpu.memory_space<hbm>> -> memref<10240x128xf32, #tpu.memory_space<hbm>>
          tpu.enqueue_indirect_dma source(%dma_start3A_109 : memref<10240x128xf32, #tpu.memory_space<hbm>>) target(%arg13 : memref<64x128xf32, #tpu.memory_space<vmem>>) offsets(%arg22 : memref<64xi32, #tpu.memory_space<vmem>>) semaphore(%run_scoped3A : memref<!tpu.dma_semaphore, #tpu.memory_space<semaphore_mem>>)
          %dma_wait3A = arith.constant 0 : i32
          %dma_wait3A_110 = arith.constant 0 : i32
          %dma_wait3A_111 = tpu.memref_slice %arg6[%dma_wait3A, %dma_wait3A_110] : memref<10240x128xf32, #tpu.memory_space<hbm>> -> memref<10240x128xf32, #tpu.memory_space<hbm>>
          tpu.wait_indirect_dma semaphore(%run_scoped3A : memref<!tpu.dma_semaphore, #tpu.memory_space<semaphore_mem>>) src(%dma_wait3A_111 : memref<10240x128xf32, #tpu.memory_space<hbm>>) dst(%arg13 : memref<64x128xf32, #tpu.memory_space<vmem>>)
          tpu.yield
        }) : () -> ()
        "tpu.region"() ({
          %run_scoped3A = tpu.sem_alloc : memref<!tpu.dma_semaphore, #tpu.memory_space<semaphore_mem>>
          %dma_start3A = arith.constant 0 : i32
          %dma_start3A_108 = tpu.memref_slice %arg26[%dma_start3A] : memref<10240xf32, #tpu.memory_space<vmem_shared>> -> memref<10240xf32, #tpu.memory_space<vmem_shared>>
          tpu.enqueue_indirect_dma source(%dma_start3A_108 : memref<10240xf32, #tpu.memory_space<vmem_shared>>) target(%arg16 : memref<64xf32, #tpu.memory_space<vmem>>) offsets(%arg21 : memref<64xi32, #tpu.memory_space<vmem>>) semaphore(%run_scoped3A : memref<!tpu.dma_semaphore, #tpu.memory_space<semaphore_mem>>)
          %dma_wait3A = arith.constant 0 : i32
          %dma_wait3A_109 = tpu.memref_slice %arg26[%dma_wait3A] : memref<10240xf32, #tpu.memory_space<vmem_shared>> -> memref<10240xf32, #tpu.memory_space<vmem_shared>>
          tpu.wait_indirect_dma semaphore(%run_scoped3A : memref<!tpu.dma_semaphore, #tpu.memory_space<semaphore_mem>>) src(%dma_wait3A_109 : memref<10240xf32, #tpu.memory_space<vmem_shared>>) dst(%arg16 : memref<64xf32, #tpu.memory_space<vmem>>)
          tpu.yield
        }) : () -> ()
        "tpu.region"() ({
          %run_scoped3A = tpu.sem_alloc : memref<!tpu.dma_semaphore, #tpu.memory_space<semaphore_mem>>
          %dma_start3A = arith.constant 0 : i32
          %dma_start3A_108 = tpu.memref_slice %arg26[%dma_start3A] : memref<10240xf32, #tpu.memory_space<vmem_shared>> -> memref<10240xf32, #tpu.memory_space<vmem_shared>>
          tpu.enqueue_indirect_dma source(%dma_start3A_108 : memref<10240xf32, #tpu.memory_space<vmem_shared>>) target(%arg17 : memref<64xf32, #tpu.memory_space<vmem>>) offsets(%arg22 : memref<64xi32, #tpu.memory_space<vmem>>) semaphore(%run_scoped3A : memref<!tpu.dma_semaphore, #tpu.memory_space<semaphore_mem>>)
          %dma_wait3A = arith.constant 0 : i32
          %dma_wait3A_109 = tpu.memref_slice %arg26[%dma_wait3A] : memref<10240xf32, #tpu.memory_space<vmem_shared>> -> memref<10240xf32, #tpu.memory_space<vmem_shared>>
          tpu.wait_indirect_dma semaphore(%run_scoped3A : memref<!tpu.dma_semaphore, #tpu.memory_space<semaphore_mem>>) src(%dma_wait3A_109 : memref<10240xf32, #tpu.memory_space<vmem_shared>>) dst(%arg17 : memref<64xf32, #tpu.memory_space<vmem>>)
          tpu.yield
        }) : () -> ()
        %scan3A_102 = arith.constant 0 : i32
        %scan3A_103 = arith.constant 0 : i32
        %scan3A_104 = arith.constant 4 : i32
        %scan3A_105 = arith.addi %scan3A_103, %scan3A_104 : i32
        %scan3A_106 = arith.constant 1 : i32
        scf.for %scan3A_108 = %scan3A_103 to %scan3A_105 step %scan3A_106  : i32 {
          %broadcast_in_dim3A_109 = arith.constant 0.000000e+00 : f32
          %broadcast_in_dim3A_110 = vector.broadcast %broadcast_in_dim3A_109 : f32 to vector<16xf32>
          %scan3A_111 = arith.constant 0 : i32
          %scan3A_112 = arith.constant 16 : i32
          %scan3A_113 = arith.addi %scan3A_111, %scan3A_112 : i32
          %scan3A_114 = arith.constant 1 : i32
          %scan3A_115 = scf.for %scan3A_148 = %scan3A_111 to %scan3A_113 step %scan3A_114 iter_args(%scan3A_149 = %broadcast_in_dim3A_110) -> (vector<16xf32>)  : i32 {
            %mul3A_150 = arith.constant 16 : i32
            %mul3A_151 = arith.muli %scan3A_108, %mul3A_150 : i32
            %add3A_152 = arith.addi %mul3A_151, %scan3A_148 : i32
            %broadcast_in_dim3A_153 = arith.constant 0.000000e+00 : f32
            %broadcast_in_dim3A_154 = vector.broadcast %broadcast_in_dim3A_153 : f32 to vector<16xf32>
            %get3A_155 = arith.index_cast %add3A_152 : i32 to index
            %get3A_156 = arith.constant 0 : index
            %get3A_157 = tpu.vector_load %arg12[%get3A_155, %get3A_156] {strides = array<i32>} : memref<64x128xf32, #tpu.memory_space<vmem>>, vector<1x16xf32>,
            %get3A_158 = vector.shape_cast %get3A_157 : vector<1x16xf32> to vector<16xf32>
            %get3A_159 = arith.index_cast %add3A_152 : i32 to index
            %get3A_160 = arith.constant 0 : index
            %get3A_161 = tpu.vector_load %arg13[%get3A_159, %get3A_160] {strides = array<i32>} : memref<64x128xf32, #tpu.memory_space<vmem>>, vector<1x16xf32>,
            %get3A_162 = vector.shape_cast %get3A_161 : vector<1x16xf32> to vector<16xf32>
            %mul3A_163 = arith.mulf %get3A_158, %get3A_162 : vector<16xf32>
            %add3A_164 = arith.addf %broadcast_in_dim3A_154, %mul3A_163 : vector<16xf32>
            %get3A_165 = arith.index_cast %add3A_152 : i32 to index
            %get3A_166 = arith.constant 16 : index
            %get3A_167 = tpu.vector_load %arg12[%get3A_165, %get3A_166] {strides = array<i32>} : memref<64x128xf32, #tpu.memory_space<vmem>>, vector<1x16xf32>,
            %get3A_168 = vector.shape_cast %get3A_167 : vector<1x16xf32> to vector<16xf32>
            %get3A_169 = arith.index_cast %add3A_152 : i32 to index
            %get3A_170 = arith.constant 16 : index
            %get3A_171 = tpu.vector_load %arg13[%get3A_169, %get3A_170] {strides = array<i32>} : memref<64x128xf32, #tpu.memory_space<vmem>>, vector<1x16xf32>,
            %get3A_172 = vector.shape_cast %get3A_171 : vector<1x16xf32> to vector<16xf32>
            %mul3A_173 = arith.mulf %get3A_168, %get3A_172 : vector<16xf32>
            %add3A_174 = arith.addf %add3A_164, %mul3A_173 : vector<16xf32>
            %get3A_175 = arith.index_cast %add3A_152 : i32 to index
            %get3A_176 = arith.constant 32 : index
            %get3A_177 = tpu.vector_load %arg12[%get3A_175, %get3A_176] {strides = array<i32>} : memref<64x128xf32, #tpu.memory_space<vmem>>, vector<1x16xf32>,
            %get3A_178 = vector.shape_cast %get3A_177 : vector<1x16xf32> to vector<16xf32>
            %get3A_179 = arith.index_cast %add3A_152 : i32 to index
            %get3A_180 = arith.constant 32 : index
            %get3A_181 = tpu.vector_load %arg13[%get3A_179, %get3A_180] {strides = array<i32>} : memref<64x128xf32, #tpu.memory_space<vmem>>, vector<1x16xf32>,
            %get3A_182 = vector.shape_cast %get3A_181 : vector<1x16xf32> to vector<16xf32>
            %mul3A_183 = arith.mulf %get3A_178, %get3A_182 : vector<16xf32>
            %add3A_184 = arith.addf %add3A_174, %mul3A_183 : vector<16xf32>
            %get3A_185 = arith.index_cast %add3A_152 : i32 to index
            %get3A_186 = arith.constant 48 : index
            %get3A_187 = tpu.vector_load %arg12[%get3A_185, %get3A_186] {strides = array<i32>} : memref<64x128xf32, #tpu.memory_space<vmem>>, vector<1x16xf32>,
            %get3A_188 = vector.shape_cast %get3A_187 : vector<1x16xf32> to vector<16xf32>
            %get3A_189 = arith.index_cast %add3A_152 : i32 to index
            %get3A_190 = arith.constant 48 : index
            %get3A_191 = tpu.vector_load %arg13[%get3A_189, %get3A_190] {strides = array<i32>} : memref<64x128xf32, #tpu.memory_space<vmem>>, vector<1x16xf32>,
            %get3A_192 = vector.shape_cast %get3A_191 : vector<1x16xf32> to vector<16xf32>
            %mul3A_193 = arith.mulf %get3A_188, %get3A_192 : vector<16xf32>
            %add3A_194 = arith.addf %add3A_184, %mul3A_193 : vector<16xf32>
            %iota3A_195 = tpu.iota {dimensions = array<i32: 0>} : vector<16xi32>
            %xor3A_196 = arith.constant 8 : i32
            %xor3A_197 = vector.broadcast %xor3A_196 : i32 to vector<16xi32>
            %xor3A_198 = arith.xori %iota3A_195, %xor3A_197 : vector<16xi32>
            %broadcast_in_dim3A_199 = vector.shape_cast %xor3A_198 : vector<16xi32> to vector<16x1xi32>
            %gather3A_200 = vector.shape_cast %broadcast_in_dim3A_199 : vector<16x1xi32> to vector<16xi32>
            %gather3A_201 = tpu.dynamic_gather %add3A_194[%gather3A_200] in [0] : vector<16xf32>, vector<16xi32> -> vector<16xf32>
            %add3A_202 = arith.addf %add3A_194, %gather3A_201 : vector<16xf32>
            %xor3A_203 = arith.constant 4 : i32
            %xor3A_204 = vector.broadcast %xor3A_203 : i32 to vector<16xi32>
            %xor3A_205 = arith.xori %iota3A_195, %xor3A_204 : vector<16xi32>
            %broadcast_in_dim3A_206 = vector.shape_cast %xor3A_205 : vector<16xi32> to vector<16x1xi32>
            %gather3A_207 = vector.shape_cast %broadcast_in_dim3A_206 : vector<16x1xi32> to vector<16xi32>
            %gather3A_208 = tpu.dynamic_gather %add3A_202[%gather3A_207] in [0] : vector<16xf32>, vector<16xi32> -> vector<16xf32>
            %add3A_209 = arith.addf %add3A_202, %gather3A_208 : vector<16xf32>
            %xor3A_210 = arith.constant 2 : i32
            %xor3A_211 = vector.broadcast %xor3A_210 : i32 to vector<16xi32>
            %xor3A_212 = arith.xori %iota3A_195, %xor3A_211 : vector<16xi32>
            %broadcast_in_dim3A_213 = vector.shape_cast %xor3A_212 : vector<16xi32> to vector<16x1xi32>
            %gather3A_214 = vector.shape_cast %broadcast_in_dim3A_213 : vector<16x1xi32> to vector<16xi32>
            %gather3A_215 = tpu.dynamic_gather %add3A_209[%gather3A_214] in [0] : vector<16xf32>, vector<16xi32> -> vector<16xf32>
            %add3A_216 = arith.addf %add3A_209, %gather3A_215 : vector<16xf32>
            %xor3A_217 = arith.constant 1 : i32
            %xor3A_218 = vector.broadcast %xor3A_217 : i32 to vector<16xi32>
            %xor3A_219 = arith.xori %iota3A_195, %xor3A_218 : vector<16xi32>
            %broadcast_in_dim3A_220 = vector.shape_cast %xor3A_219 : vector<16xi32> to vector<16x1xi32>
            %gather3A_221 = vector.shape_cast %broadcast_in_dim3A_220 : vector<16x1xi32> to vector<16xi32>
            %gather3A_222 = tpu.dynamic_gather %add3A_216[%gather3A_221] in [0] : vector<16xf32>, vector<16xi32> -> vector<16xf32>
            %add3A_223 = arith.addf %add3A_216, %gather3A_222 : vector<16xf32>
            %eq3A_224 = vector.broadcast %scan3A_148 : i32 to vector<16xi32>
            %eq3A_225 = arith.cmpi eq, %iota3A, %eq3A_224 : vector<16xi32>
            %select_n3A = arith.select %eq3A_225, %add3A_223, %scan3A_149 : vector<16xi1>, vector<16xf32>
            scf.yield %select_n3A : vector<16xf32>
          }
          %scan3A_116 = arith.constant 16 : i32
          %mul3A_117 = arith.constant 64 : i32
          %mul3A_118 = arith.muli %scan3A_95, %mul3A_117 : i32
          %mul3A_119 = arith.constant 16 : i32
          %mul3A_120 = arith.muli %scan3A_108, %mul3A_119 : i32
          %add3A_121 = arith.addi %mul3A_118, %mul3A_120 : i32
          %swap3A_122 = arith.index_cast %add3A_121 : i32 to index
          %swap3A_123 = tpu.vector_load %arg11[%swap3A_122] {strides = array<i32>} : memref<10240xf32, #tpu.memory_space<vmem>>, vector<16xf32>,
          %swap3A_124 = vector.shape_cast %swap3A_123 : vector<16xf32> to vector<16xf32>
          %swap3A_125 = vector.shape_cast %scan3A_115 : vector<16xf32> to vector<16xf32>
          tpu.vector_store %arg11[%swap3A_122], %swap3A_125 {strides = array<i32>} : memref<10240xf32, #tpu.memory_space<vmem>>, vector<16xf32>,
          %get3A_126 = arith.index_cast %add3A_121 : i32 to index
          %get3A_127 = tpu.vector_load %arg10[%get3A_126] {strides = array<i32>} : memref<10240xf32, #tpu.memory_space<vmem>>, vector<16xf32>,
          %get3A_128 = vector.shape_cast %get3A_127 : vector<16xf32> to vector<16xf32>
          %mul3A_129 = arith.mulf %scan3A_115, %get3A_128 : vector<16xf32>
          %mul3A_130 = arith.constant 16 : i32
          %mul3A_131 = arith.muli %scan3A_108, %mul3A_130 : i32
          %get3A_132 = arith.index_cast %mul3A_131 : i32 to index
          %get3A_133 = tpu.vector_load %arg17[%get3A_132] {strides = array<i32>} : memref<64xf32, #tpu.memory_space<vmem>>, vector<16xf32>,
          %get3A_134 = vector.shape_cast %get3A_133 : vector<16xf32> to vector<16xf32>
          %mul3A_135 = arith.mulf %mul3A_129, %get3A_134 : vector<16xf32>
          %swap3A_136 = arith.index_cast %mul3A_131 : i32 to index
          %swap3A_137 = tpu.vector_load %arg19[%swap3A_136] {strides = array<i32>} : memref<64xf32, #tpu.memory_space<vmem>>, vector<16xf32>,
          %swap3A_138 = vector.shape_cast %swap3A_137 : vector<16xf32> to vector<16xf32>
          %swap3A_139 = vector.shape_cast %mul3A_135 : vector<16xf32> to vector<16xf32>
          tpu.vector_store %arg19[%swap3A_136], %swap3A_139 {strides = array<i32>} : memref<64xf32, #tpu.memory_space<vmem>>, vector<16xf32>,
          %get3A_140 = arith.index_cast %mul3A_131 : i32 to index
          %get3A_141 = tpu.vector_load %arg16[%get3A_140] {strides = array<i32>} : memref<64xf32, #tpu.memory_space<vmem>>, vector<16xf32>,
          %get3A_142 = vector.shape_cast %get3A_141 : vector<16xf32> to vector<16xf32>
          %mul3A_143 = arith.mulf %mul3A_129, %get3A_142 : vector<16xf32>
          %swap3A_144 = arith.index_cast %mul3A_131 : i32 to index
          %swap3A_145 = tpu.vector_load %arg20[%swap3A_144] {strides = array<i32>} : memref<64xf32, #tpu.memory_space<vmem>>, vector<16xf32>,
          %swap3A_146 = vector.shape_cast %swap3A_145 : vector<16xf32> to vector<16xf32>
          %swap3A_147 = vector.shape_cast %mul3A_143 : vector<16xf32> to vector<16xf32>
          tpu.vector_store %arg20[%swap3A_144], %swap3A_147 {strides = array<i32>} : memref<64xf32, #tpu.memory_space<vmem>>, vector<16xf32>,
        }
        %scan3A_107 = arith.constant 4 : i32
        "tpu.region"() ({
          %run_scoped3A = tpu.sem_alloc : memref<!tpu.dma_semaphore, #tpu.memory_space<semaphore_mem>>
          %dma_start3A = arith.constant 0 : i32
          %dma_start3A_108 = tpu.memref_slice %arg27[%dma_start3A] : memref<10240xf32, #tpu.memory_space<vmem_shared>> -> memref<10240xf32, #tpu.memory_space<vmem_shared>>
          tpu.enqueue_indirect_dma source(%arg19 : memref<64xf32, #tpu.memory_space<vmem>>) target(%dma_start3A_108 : memref<10240xf32, #tpu.memory_space<vmem_shared>>) offsets(%arg21 : memref<64xi32, #tpu.memory_space<vmem>>) semaphore(%run_scoped3A : memref<!tpu.dma_semaphore, #tpu.memory_space<semaphore_mem>>) {add = true}
          %dma_wait3A = arith.constant 0 : i32
          %dma_wait3A_109 = tpu.memref_slice %arg27[%dma_wait3A] : memref<10240xf32, #tpu.memory_space<vmem_shared>> -> memref<10240xf32, #tpu.memory_space<vmem_shared>>
          tpu.wait_indirect_dma semaphore(%run_scoped3A : memref<!tpu.dma_semaphore, #tpu.memory_space<semaphore_mem>>) src(%arg19 : memref<64xf32, #tpu.memory_space<vmem>>) dst(%dma_wait3A_109 : memref<10240xf32, #tpu.memory_space<vmem_shared>>)
          tpu.yield
        }) : () -> ()
        "tpu.region"() ({
          %run_scoped3A = tpu.sem_alloc : memref<!tpu.dma_semaphore, #tpu.memory_space<semaphore_mem>>
          %dma_start3A = arith.constant 0 : i32
          %dma_start3A_108 = tpu.memref_slice %arg27[%dma_start3A] : memref<10240xf32, #tpu.memory_space<vmem_shared>> -> memref<10240xf32, #tpu.memory_space<vmem_shared>>
          tpu.enqueue_indirect_dma source(%arg20 : memref<64xf32, #tpu.memory_space<vmem>>) target(%dma_start3A_108 : memref<10240xf32, #tpu.memory_space<vmem_shared>>) offsets(%arg22 : memref<64xi32, #tpu.memory_space<vmem>>) semaphore(%run_scoped3A : memref<!tpu.dma_semaphore, #tpu.memory_space<semaphore_mem>>) {add = true}
          %dma_wait3A = arith.constant 0 : i32
          %dma_wait3A_109 = tpu.memref_slice %arg27[%dma_wait3A] : memref<10240xf32, #tpu.memory_space<vmem_shared>> -> memref<10240xf32, #tpu.memory_space<vmem_shared>>
          tpu.wait_indirect_dma semaphore(%run_scoped3A : memref<!tpu.dma_semaphore, #tpu.memory_space<semaphore_mem>>) src(%arg20 : memref<64xf32, #tpu.memory_space<vmem>>) dst(%dma_wait3A_109 : memref<10240xf32, #tpu.memory_space<vmem_shared>>)
          tpu.yield
        }) : () -> ()
      }
      %scan3A_69 = arith.constant 160 : i32
      %barrier3A_70 = arith.constant 0 : index
      tpu.barrier barrier_id(%barrier3A_70)
      "tpu.region"() ({
        %run_scoped3A = tpu.sem_alloc : memref<!tpu.dma_semaphore, #tpu.memory_space<semaphore_mem>>
        %dma_start3A = tpu.memref_slice %arg27[%mul3A_4] : memref<10240xf32, #tpu.memory_space<vmem_shared>> -> memref<640xf32, #tpu.memory_space<vmem_shared>>
        %dma_start3A_95 = tpu.memref_slice %arg27[%mul3A_4] : memref<10240xf32, #tpu.memory_space<vmem_shared>> -> memref<640xf32, #tpu.memory_space<vmem_shared>>
        tpu.enqueue_dma source(%dma_start3A_95 : memref<640xf32, #tpu.memory_space<vmem_shared>>) target(%arg14 : memref<640xf32, #tpu.memory_space<vmem>>) target_semaphore(%run_scoped3A : memref<!tpu.dma_semaphore, #tpu.memory_space<semaphore_mem>>)
        %dma_wait3A = tpu.memref_slice %arg27[%mul3A_4] : memref<10240xf32, #tpu.memory_space<vmem_shared>> -> memref<640xf32, #tpu.memory_space<vmem_shared>>
        %dma_wait3A_96 = tpu.memref_slice %arg27[%mul3A_4] : memref<10240xf32, #tpu.memory_space<vmem_shared>> -> memref<640xf32, #tpu.memory_space<vmem_shared>>
        tpu.wait_dma2 semaphore(%run_scoped3A : memref<!tpu.dma_semaphore, #tpu.memory_space<semaphore_mem>>) src(%dma_wait3A_96 : memref<640xf32, #tpu.memory_space<vmem_shared>>) dst(%arg14 : memref<640xf32, #tpu.memory_space<vmem>>)
        tpu.yield
      }) : () -> ()
      %scan3A_71 = arith.constant 0 : i32
      %scan3A_72 = arith.constant 0 : i32
      %scan3A_73 = arith.constant 40 : i32
      %scan3A_74 = arith.addi %scan3A_72, %scan3A_73 : i32
      %scan3A_75 = arith.constant 1 : i32
      scf.for %scan3A_95 = %scan3A_72 to %scan3A_74 step %scan3A_75  : i32 {
        %mul3A_96 = arith.constant 16 : i32
        %mul3A_97 = arith.muli %scan3A_95, %mul3A_96 : i32
        %get3A_98 = arith.index_cast %mul3A_97 : i32 to index
        %get3A_99 = tpu.vector_load %arg15[%get3A_98] {strides = array<i32>} : memref<640xf32, #tpu.memory_space<vmem>>, vector<16xf32>,
        %get3A_100 = vector.shape_cast %get3A_99 : vector<16xf32> to vector<16xf32>
        %mul3A_101 = arith.constant -5.000000e-01 : f32
        %mul3A_102 = vector.broadcast %mul3A_101 : f32 to vector<16xf32>
        %mul3A_103 = arith.mulf %mul3A_102, %get3A_100 : vector<16xf32>
        %mul3A_104 = arith.mulf %mul3A_103, %get3A_100 : vector<16xf32>
        %mul3A_105 = arith.mulf %mul3A_104, %get3A_100 : vector<16xf32>
        %get3A_106 = arith.index_cast %mul3A_97 : i32 to index
        %get3A_107 = tpu.vector_load %arg14[%get3A_106] {strides = array<i32>} : memref<640xf32, #tpu.memory_space<vmem>>, vector<16xf32>,
        %get3A_108 = vector.shape_cast %get3A_107 : vector<16xf32> to vector<16xf32>
        %mul3A_109 = arith.mulf %mul3A_105, %get3A_108 : vector<16xf32>
        %swap3A_110 = arith.index_cast %mul3A_97 : i32 to index
        %swap3A_111 = tpu.vector_load %arg14[%swap3A_110] {strides = array<i32>} : memref<640xf32, #tpu.memory_space<vmem>>, vector<16xf32>,
        %swap3A_112 = vector.shape_cast %swap3A_111 : vector<16xf32> to vector<16xf32>
        %swap3A_113 = vector.shape_cast %mul3A_109 : vector<16xf32> to vector<16xf32>
        tpu.vector_store %arg14[%swap3A_110], %swap3A_113 {strides = array<i32>} : memref<640xf32, #tpu.memory_space<vmem>>, vector<16xf32>,
      }
      %scan3A_76 = arith.constant 40 : i32
      "tpu.region"() ({
        %run_scoped3A = tpu.sem_alloc : memref<!tpu.dma_semaphore, #tpu.memory_space<semaphore_mem>>
        %dma_start3A = tpu.memref_slice %arg28[%mul3A_4] : memref<10240xf32, #tpu.memory_space<vmem_shared>> -> memref<640xf32, #tpu.memory_space<vmem_shared>>
        %dma_start3A_95 = tpu.memref_slice %arg28[%mul3A_4] : memref<10240xf32, #tpu.memory_space<vmem_shared>> -> memref<640xf32, #tpu.memory_space<vmem_shared>>
        tpu.enqueue_dma source(%arg14 : memref<640xf32, #tpu.memory_space<vmem>>) target(%dma_start3A_95 : memref<640xf32, #tpu.memory_space<vmem_shared>>) target_semaphore(%run_scoped3A : memref<!tpu.dma_semaphore, #tpu.memory_space<semaphore_mem>>)
        %dma_wait3A = tpu.memref_slice %arg28[%mul3A_4] : memref<10240xf32, #tpu.memory_space<vmem_shared>> -> memref<640xf32, #tpu.memory_space<vmem_shared>>
        %dma_wait3A_96 = tpu.memref_slice %arg28[%mul3A_4] : memref<10240xf32, #tpu.memory_space<vmem_shared>> -> memref<640xf32, #tpu.memory_space<vmem_shared>>
        tpu.wait_dma2 semaphore(%run_scoped3A : memref<!tpu.dma_semaphore, #tpu.memory_space<semaphore_mem>>) src(%arg14 : memref<640xf32, #tpu.memory_space<vmem>>) dst(%dma_wait3A_96 : memref<640xf32, #tpu.memory_space<vmem_shared>>)
        tpu.yield
      }) : () -> ()
      %barrier3A_77 = arith.constant 0 : index
      tpu.barrier barrier_id(%barrier3A_77)
      %get3A = arith.constant 0 : index
      %get3A_78 = tpu.vector_load %arg23[%get3A] {strides = array<i32>} : memref<16xf32, #tpu.memory_space<vmem>>, vector<16xf32>,
      %get3A_79 = vector.shape_cast %get3A_78 : vector<16xf32> to vector<16xf32>
      %sub3A = arith.subf %get3A_79, %add3A_63 : vector<16xf32>
      %mul3A_80 = arith.constant 2.000000e+00 : f32
      %mul3A_81 = vector.broadcast %mul3A_80 : f32 to vector<16xf32>
      %mul3A_82 = arith.mulf %mul3A_81, %sub3A : vector<16xf32>
      %scan3A_83 = arith.constant 0 : i32
      %scan3A_84 = arith.constant 0 : i32
      %scan3A_85 = arith.constant 160 : i32
      %scan3A_86 = arith.addi %scan3A_84, %scan3A_85 : i32
      %scan3A_87 = arith.constant 1 : i32
      scf.for %scan3A_95 = %scan3A_84 to %scan3A_86 step %scan3A_87  : i32 {
        %mul3A_96 = arith.constant 160 : i32
        %mul3A_97 = arith.muli %arg1, %mul3A_96 : i32
        %add3A_98 = arith.addi %mul3A_97, %scan3A_95 : i32
        "tpu.region"() ({
          %run_scoped3A = tpu.sem_alloc : memref<!tpu.dma_semaphore, #tpu.memory_space<semaphore_mem>>
          %dma_start3A = arith.constant 0 : i32
          %dma_start3A_108 = tpu.memref_slice %arg3[%add3A_98, %dma_start3A] : memref<2560x64xi32, #tpu.memory_space<hbm>> -> memref<1x64xi32, #tpu.memory_space<hbm>>
          %dma_start3A_109 = tpu.memref_squeeze %dma_start3A_108 : memref<1x64xi32, #tpu.memory_space<hbm>> -> memref<64xi32, #tpu.memory_space<hbm>>
          %dma_start3A_110 = arith.constant 0 : i32
          %dma_start3A_111 = tpu.memref_slice %arg3[%add3A_98, %dma_start3A_110] : memref<2560x64xi32, #tpu.memory_space<hbm>> -> memref<1x64xi32, #tpu.memory_space<hbm>>
          %dma_start3A_112 = tpu.memref_squeeze %dma_start3A_111 : memref<1x64xi32, #tpu.memory_space<hbm>> -> memref<64xi32, #tpu.memory_space<hbm>>
          tpu.enqueue_dma source(%dma_start3A_112 : memref<64xi32, #tpu.memory_space<hbm>>) target(%arg21 : memref<64xi32, #tpu.memory_space<vmem>>) target_semaphore(%run_scoped3A : memref<!tpu.dma_semaphore, #tpu.memory_space<semaphore_mem>>)
          %dma_wait3A = arith.constant 0 : i32
          %dma_wait3A_113 = tpu.memref_slice %arg3[%add3A_98, %dma_wait3A] : memref<2560x64xi32, #tpu.memory_space<hbm>> -> memref<1x64xi32, #tpu.memory_space<hbm>>
          %dma_wait3A_114 = tpu.memref_squeeze %dma_wait3A_113 : memref<1x64xi32, #tpu.memory_space<hbm>> -> memref<64xi32, #tpu.memory_space<hbm>>
          %dma_wait3A_115 = arith.constant 0 : i32
          %dma_wait3A_116 = tpu.memref_slice %arg3[%add3A_98, %dma_wait3A_115] : memref<2560x64xi32, #tpu.memory_space<hbm>> -> memref<1x64xi32, #tpu.memory_space<hbm>>
          %dma_wait3A_117 = tpu.memref_squeeze %dma_wait3A_116 : memref<1x64xi32, #tpu.memory_space<hbm>> -> memref<64xi32, #tpu.memory_space<hbm>>
          tpu.wait_dma2 semaphore(%run_scoped3A : memref<!tpu.dma_semaphore, #tpu.memory_space<semaphore_mem>>) src(%dma_wait3A_117 : memref<64xi32, #tpu.memory_space<hbm>>) dst(%arg21 : memref<64xi32, #tpu.memory_space<vmem>>)
          tpu.yield
        }) : () -> ()
        %mul3A_99 = arith.constant 160 : i32
        %mul3A_100 = arith.muli %arg1, %mul3A_99 : i32
        %add3A_101 = arith.addi %mul3A_100, %scan3A_95 : i32
        "tpu.region"() ({
          %run_scoped3A = tpu.sem_alloc : memref<!tpu.dma_semaphore, #tpu.memory_space<semaphore_mem>>
          %dma_start3A = arith.constant 0 : i32
          %dma_start3A_108 = tpu.memref_slice %arg4[%add3A_101, %dma_start3A] : memref<2560x64xi32, #tpu.memory_space<hbm>> -> memref<1x64xi32, #tpu.memory_space<hbm>>
          %dma_start3A_109 = tpu.memref_squeeze %dma_start3A_108 : memref<1x64xi32, #tpu.memory_space<hbm>> -> memref<64xi32, #tpu.memory_space<hbm>>
          %dma_start3A_110 = arith.constant 0 : i32
          %dma_start3A_111 = tpu.memref_slice %arg4[%add3A_101, %dma_start3A_110] : memref<2560x64xi32, #tpu.memory_space<hbm>> -> memref<1x64xi32, #tpu.memory_space<hbm>>
          %dma_start3A_112 = tpu.memref_squeeze %dma_start3A_111 : memref<1x64xi32, #tpu.memory_space<hbm>> -> memref<64xi32, #tpu.memory_space<hbm>>
          tpu.enqueue_dma source(%dma_start3A_112 : memref<64xi32, #tpu.memory_space<hbm>>) target(%arg22 : memref<64xi32, #tpu.memory_space<vmem>>) target_semaphore(%run_scoped3A : memref<!tpu.dma_semaphore, #tpu.memory_space<semaphore_mem>>)
          %dma_wait3A = arith.constant 0 : i32
          %dma_wait3A_113 = tpu.memref_slice %arg4[%add3A_101, %dma_wait3A] : memref<2560x64xi32, #tpu.memory_space<hbm>> -> memref<1x64xi32, #tpu.memory_space<hbm>>
          %dma_wait3A_114 = tpu.memref_squeeze %dma_wait3A_113 : memref<1x64xi32, #tpu.memory_space<hbm>> -> memref<64xi32, #tpu.memory_space<hbm>>
          %dma_wait3A_115 = arith.constant 0 : i32
          %dma_wait3A_116 = tpu.memref_slice %arg4[%add3A_101, %dma_wait3A_115] : memref<2560x64xi32, #tpu.memory_space<hbm>> -> memref<1x64xi32, #tpu.memory_space<hbm>>
          %dma_wait3A_117 = tpu.memref_squeeze %dma_wait3A_116 : memref<1x64xi32, #tpu.memory_space<hbm>> -> memref<64xi32, #tpu.memory_space<hbm>>
          tpu.wait_dma2 semaphore(%run_scoped3A : memref<!tpu.dma_semaphore, #tpu.memory_space<semaphore_mem>>) src(%dma_wait3A_117 : memref<64xi32, #tpu.memory_space<hbm>>) dst(%arg22 : memref<64xi32, #tpu.memory_space<vmem>>)
          tpu.yield
        }) : () -> ()
        "tpu.region"() ({
          %run_scoped3A = tpu.sem_alloc : memref<!tpu.dma_semaphore, #tpu.memory_space<semaphore_mem>>
          %dma_start3A = arith.constant 0 : i32
          %dma_start3A_108 = tpu.memref_slice %arg28[%dma_start3A] : memref<10240xf32, #tpu.memory_space<vmem_shared>> -> memref<10240xf32, #tpu.memory_space<vmem_shared>>
          tpu.enqueue_indirect_dma source(%dma_start3A_108 : memref<10240xf32, #tpu.memory_space<vmem_shared>>) target(%arg18 : memref<64xf32, #tpu.memory_space<vmem>>) offsets(%arg22 : memref<64xi32, #tpu.memory_space<vmem>>) semaphore(%run_scoped3A : memref<!tpu.dma_semaphore, #tpu.memory_space<semaphore_mem>>)
          %dma_wait3A = arith.constant 0 : i32
          %dma_wait3A_109 = tpu.memref_slice %arg28[%dma_wait3A] : memref<10240xf32, #tpu.memory_space<vmem_shared>> -> memref<10240xf32, #tpu.memory_space<vmem_shared>>
          tpu.wait_indirect_dma semaphore(%run_scoped3A : memref<!tpu.dma_semaphore, #tpu.memory_space<semaphore_mem>>) src(%dma_wait3A_109 : memref<10240xf32, #tpu.memory_space<vmem_shared>>) dst(%arg18 : memref<64xf32, #tpu.memory_space<vmem>>)
          tpu.yield
        }) : () -> ()
        "tpu.region"() ({
          %run_scoped3A = tpu.sem_alloc : memref<!tpu.dma_semaphore, #tpu.memory_space<semaphore_mem>>
          %dma_start3A = arith.constant 0 : i32
          %dma_start3A_108 = tpu.memref_slice %arg26[%dma_start3A] : memref<10240xf32, #tpu.memory_space<vmem_shared>> -> memref<10240xf32, #tpu.memory_space<vmem_shared>>
          tpu.enqueue_indirect_dma source(%dma_start3A_108 : memref<10240xf32, #tpu.memory_space<vmem_shared>>) target(%arg16 : memref<64xf32, #tpu.memory_space<vmem>>) offsets(%arg21 : memref<64xi32, #tpu.memory_space<vmem>>) semaphore(%run_scoped3A : memref<!tpu.dma_semaphore, #tpu.memory_space<semaphore_mem>>)
          %dma_wait3A = arith.constant 0 : i32
          %dma_wait3A_109 = tpu.memref_slice %arg26[%dma_wait3A] : memref<10240xf32, #tpu.memory_space<vmem_shared>> -> memref<10240xf32, #tpu.memory_space<vmem_shared>>
          tpu.wait_indirect_dma semaphore(%run_scoped3A : memref<!tpu.dma_semaphore, #tpu.memory_space<semaphore_mem>>) src(%dma_wait3A_109 : memref<10240xf32, #tpu.memory_space<vmem_shared>>) dst(%arg16 : memref<64xf32, #tpu.memory_space<vmem>>)
          tpu.yield
        }) : () -> ()
        "tpu.region"() ({
          %run_scoped3A = tpu.sem_alloc : memref<!tpu.dma_semaphore, #tpu.memory_space<semaphore_mem>>
          %dma_start3A = arith.constant 0 : i32
          %dma_start3A_108 = tpu.memref_slice %arg26[%dma_start3A] : memref<10240xf32, #tpu.memory_space<vmem_shared>> -> memref<10240xf32, #tpu.memory_space<vmem_shared>>
          tpu.enqueue_indirect_dma source(%dma_start3A_108 : memref<10240xf32, #tpu.memory_space<vmem_shared>>) target(%arg17 : memref<64xf32, #tpu.memory_space<vmem>>) offsets(%arg22 : memref<64xi32, #tpu.memory_space<vmem>>) semaphore(%run_scoped3A : memref<!tpu.dma_semaphore, #tpu.memory_space<semaphore_mem>>)
          %dma_wait3A = arith.constant 0 : i32
          %dma_wait3A_109 = tpu.memref_slice %arg26[%dma_wait3A] : memref<10240xf32, #tpu.memory_space<vmem_shared>> -> memref<10240xf32, #tpu.memory_space<vmem_shared>>
          tpu.wait_indirect_dma semaphore(%run_scoped3A : memref<!tpu.dma_semaphore, #tpu.memory_space<semaphore_mem>>) src(%dma_wait3A_109 : memref<10240xf32, #tpu.memory_space<vmem_shared>>) dst(%arg17 : memref<64xf32, #tpu.memory_space<vmem>>)
          tpu.yield
        }) : () -> ()
        %scan3A_102 = arith.constant 0 : i32
        %scan3A_103 = arith.constant 0 : i32
        %scan3A_104 = arith.constant 4 : i32
        %scan3A_105 = arith.addi %scan3A_103, %scan3A_104 : i32
        %scan3A_106 = arith.constant 1 : i32
        scf.for %scan3A_108 = %scan3A_103 to %scan3A_105 step %scan3A_106  : i32 {
          %mul3A_109 = arith.constant 16 : i32
          %mul3A_110 = arith.muli %scan3A_108, %mul3A_109 : i32
          %mul3A_111 = arith.constant 64 : i32
          %mul3A_112 = arith.muli %scan3A_95, %mul3A_111 : i32
          %mul3A_113 = arith.constant 16 : i32
          %mul3A_114 = arith.muli %scan3A_108, %mul3A_113 : i32
          %add3A_115 = arith.addi %mul3A_112, %mul3A_114 : i32
          %get3A_116 = arith.index_cast %add3A_115 : i32 to index
          %get3A_117 = tpu.vector_load %arg11[%get3A_116] {strides = array<i32>} : memref<10240xf32, #tpu.memory_space<vmem>>, vector<16xf32>,
          %get3A_118 = vector.shape_cast %get3A_117 : vector<16xf32> to vector<16xf32>
          %get3A_119 = arith.index_cast %mul3A_110 : i32 to index
          %get3A_120 = tpu.vector_load %arg16[%get3A_119] {strides = array<i32>} : memref<64xf32, #tpu.memory_space<vmem>>, vector<16xf32>,
          %get3A_121 = vector.shape_cast %get3A_120 : vector<16xf32> to vector<16xf32>
          %mul3A_122 = arith.mulf %get3A_118, %get3A_121 : vector<16xf32>
          %get3A_123 = arith.index_cast %mul3A_110 : i32 to index
          %get3A_124 = tpu.vector_load %arg17[%get3A_123] {strides = array<i32>} : memref<64xf32, #tpu.memory_space<vmem>>, vector<16xf32>,
          %get3A_125 = vector.shape_cast %get3A_124 : vector<16xf32> to vector<16xf32>
          %mul3A_126 = arith.mulf %mul3A_122, %get3A_125 : vector<16xf32>
          %get3A_127 = arith.index_cast %mul3A_110 : i32 to index
          %get3A_128 = tpu.vector_load %arg18[%get3A_127] {strides = array<i32>} : memref<64xf32, #tpu.memory_space<vmem>>, vector<16xf32>,
          %get3A_129 = vector.shape_cast %get3A_128 : vector<16xf32> to vector<16xf32>
          %add3A_130 = arith.addf %mul3A_126, %get3A_129 : vector<16xf32>
          %add3A_131 = arith.addf %add3A_130, %mul3A_82 : vector<16xf32>
          %get3A_132 = arith.index_cast %add3A_115 : i32 to index
          %get3A_133 = tpu.vector_load %arg10[%get3A_132] {strides = array<i32>} : memref<10240xf32, #tpu.memory_space<vmem>>, vector<16xf32>,
          %get3A_134 = vector.shape_cast %get3A_133 : vector<16xf32> to vector<16xf32>
          %mul3A_135 = arith.constant 5.000000e-03 : f32
          %mul3A_136 = vector.broadcast %mul3A_135 : f32 to vector<16xf32>
          %mul3A_137 = arith.mulf %mul3A_136, %add3A_131 : vector<16xf32>
          %add3A_138 = arith.addf %get3A_134, %mul3A_137 : vector<16xf32>
          %jit3A = arith.constant 0.000000e+00 : f32
          %jit3A_139 = arith.constant 1.000000e+00 : f32
          %max3A = vector.broadcast %jit3A : f32 to vector<16xf32>
          %max3A_140 = arith.maximumf %max3A, %add3A_138 : vector<16xf32>
          %min3A = vector.broadcast %jit3A_139 : f32 to vector<16xf32>
          %min3A_141 = arith.minimumf %min3A, %max3A_140 : vector<16xf32>
          %swap3A_142 = arith.index_cast %add3A_115 : i32 to index
          %swap3A_143 = tpu.vector_load %arg10[%swap3A_142] {strides = array<i32>} : memref<10240xf32, #tpu.memory_space<vmem>>, vector<16xf32>,
          %swap3A_144 = vector.shape_cast %swap3A_143 : vector<16xf32> to vector<16xf32>
          %swap3A_145 = vector.shape_cast %min3A_141 : vector<16xf32> to vector<16xf32>
          tpu.vector_store %arg10[%swap3A_142], %swap3A_145 {strides = array<i32>} : memref<10240xf32, #tpu.memory_space<vmem>>, vector<16xf32>,
        }
        %scan3A_107 = arith.constant 4 : i32
      }
      %scan3A_88 = arith.constant 160 : i32
      %scan3A_89 = arith.constant 0 : i32
      %scan3A_90 = arith.constant 625 : i32
      %scan3A_91 = arith.constant 15 : i32
      %scan3A_92 = arith.addi %scan3A_90, %scan3A_91 : i32
      %scan3A_93 = arith.constant 1 : i32
      scf.for %scan3A_95 = %scan3A_90 to %scan3A_92 step %scan3A_93  : i32 {
        %mul3A_96 = arith.constant 16 : i32
        %mul3A_97 = arith.muli %scan3A_95, %mul3A_96 : i32
        %swap3A_98 = arith.index_cast %mul3A_97 : i32 to index
        %swap3A_99 = tpu.vector_load %arg10[%swap3A_98] {strides = array<i32>} : memref<10240xf32, #tpu.memory_space<vmem>>, vector<16xf32>,
        %swap3A_100 = vector.shape_cast %swap3A_99 : vector<16xf32> to vector<16xf32>
        %swap3A_101 = vector.shape_cast %broadcast_in_dim3A_5 : vector<16xf32> to vector<16xf32>
        tpu.vector_store %arg10[%swap3A_98], %swap3A_101 {strides = array<i32>} : memref<10240xf32, #tpu.memory_space<vmem>>, vector<16xf32>,
      }
      %scan3A_94 = arith.constant 15 : i32
      "tpu.region"() ({
        %run_scoped3A = tpu.sem_alloc : memref<!tpu.dma_semaphore, #tpu.memory_space<semaphore_mem>>
        %dma_start3A = tpu.memref_slice %arg9[%mul3A_2] : memref<163840xf32, #tpu.memory_space<hbm>> -> memref<10240xf32, #tpu.memory_space<hbm>>
        %dma_start3A_95 = tpu.memref_slice %arg9[%mul3A_2] : memref<163840xf32, #tpu.memory_space<hbm>> -> memref<10240xf32, #tpu.memory_space<hbm>>
        tpu.enqueue_dma source(%arg10 : memref<10240xf32, #tpu.memory_space<vmem>>) target(%dma_start3A_95 : memref<10240xf32, #tpu.memory_space<hbm>>) target_semaphore(%run_scoped3A : memref<!tpu.dma_semaphore, #tpu.memory_space<semaphore_mem>>)
        %dma_wait3A = tpu.memref_slice %arg9[%mul3A_2] : memref<163840xf32, #tpu.memory_space<hbm>> -> memref<10240xf32, #tpu.memory_space<hbm>>
        %dma_wait3A_96 = tpu.memref_slice %arg9[%mul3A_2] : memref<163840xf32, #tpu.memory_space<hbm>> -> memref<10240xf32, #tpu.memory_space<hbm>>
        tpu.wait_dma2 semaphore(%run_scoped3A : memref<!tpu.dma_semaphore, #tpu.memory_space<semaphore_mem>>) src(%arg10 : memref<10240xf32, #tpu.memory_space<vmem>>) dst(%dma_wait3A_96 : memref<10240xf32, #tpu.memory_space<hbm>>)
        tpu.yield
      }) : () -> ()
    } else {
    }
    return
  }
}

module attributes {stable_mosaic.version = 14 : i64} {
  func.func @_mm_body(%arg0: i32, %arg1: memref<1000x256xf32, #tpu.memory_space<vmem>>, %arg2: memref<256x64xf32, #tpu.memory_space<vmem>>, %arg3: memref<1000x64xf32, #tpu.memory_space<vmem>>) attributes {dimension_semantics = [#tpu.dimension_semantics<arbitrary>], iteration_bounds = array<i64: 10>, scalar_prefetch = 0 : i64, scratch_operands = 0 : i64, tpu.core_type = #tpu.core_type<tc>, window_params = [{transform_indices = @transform_0, window_bounds = array<i64: 1000, 256>}, {pipeline_mode = #tpu.pipeline_mode<synchronous>, transform_indices = @transform_1, window_bounds = array<i64: 256, 64>}, {transform_indices = @transform_2, window_bounds = array<i64: 1000, 64>}]} {
    %get3A = arith.constant 0 : index
    %get3A_0 = arith.constant 0 : index
    %get3A_1 = vector.load %arg1[%get3A, %get3A_0] : memref<1000x256xf32, #tpu.memory_space<vmem>>, vector<1000x256xf32>
    %get3A_2 = arith.constant 0 : index
    %get3A_3 = arith.constant 0 : index
    %get3A_4 = vector.load %arg2[%get3A_2, %get3A_3] : memref<256x64xf32, #tpu.memory_space<vmem>>, vector<256x64xf32>
    %dot_general3A = arith.constant dense<0.000000e+00> : vector<1000x64xf32>
    %dot_general3A_5 = tpu.matmul %get3A_1, %get3A_4, %dot_general3A {dimension_numbers = #tpu.dot_dimension_numbers<[1], [0], [0], [1], [0, 0, 1, 1], [], []>, transpose_lhs_hint = false} : vector<1000x256xf32>, vector<256x64xf32>, vector<1000x64xf32> -> vector<1000x64xf32>
    %swap3A = arith.constant 0 : index
    %swap3A_6 = arith.constant 0 : index
    %swap3A_7 = vector.load %arg3[%swap3A, %swap3A_6] : memref<1000x64xf32, #tpu.memory_space<vmem>>, vector<1000x64xf32>
    tpu.vector_store %arg3[%swap3A, %swap3A_6], %dot_general3A_5 {strides = array<i32>} : memref<1000x64xf32, #tpu.memory_space<vmem>>, vector<1000x64xf32>,
    return
  }
  func.func @transform_0(%arg0: i32) -> (i32, i32) {
    %c0_i32 = arith.constant 0 : i32
    %c0_i32_0 = arith.constant 0 : i32
    return %arg0, %c0_i32 : i32, i32
  }
  func.func @transform_1(%arg0: i32) -> (i32, i32) {
    %c0_i32 = arith.constant 0 : i32
    %c0_i32_0 = arith.constant 0 : i32
    %c0_i32_1 = arith.constant 0 : i32
    return %c0_i32, %c0_i32_0 : i32, i32
  }
  func.func @transform_2(%arg0: i32) -> (i32, i32) {
    %c0_i32 = arith.constant 0 : i32
    %c0_i32_0 = arith.constant 0 : i32
    return %arg0, %c0_i32 : i32, i32
  }
}

</mosaic_0001>

<sc_bundles>
// kernel: body.10.cloned.1.call-start
scs
__scs_entry_jumppad:
0x0: {  	(pc) =	sbr.rel $0x88, $3  }
0x1: {  	(tag) =	ssettag $0x0;
	lr =	simm.s32 $0x1  }
0x2: {  	[smem:$0x3F9B] =	sst lr;
	_ =	strace $0xD0000000  }
0x3: {  	_ = 	snop  }
0x4: {  	_ = 	snop  }
0x5: {  	_ = 	snop  }
0x6: {  	_ = 	snop  }
0x7: {  	_ = 	snop  }
__scs_overlays_trampoline_lowered:
0x8: {  	[smem:$0x3FAA] =	sst s0  }
0x9: {  	[smem:$0x3FAB] =	sst s1  }
0xa: {  	[smem:$0x3FAC] =	sst s2  }
0xb: {  	[smem:$0x3FAD] =	sst s3  }
0xc: {  	[smem:$0x3FAE] =	sst s4  }
0xd: {  	[smem:$0x3FAF] =	sst s5  }
0xe: {  	[smem:$0x3FB0] =	sst s6  }
0xf: {  	[smem:$0x3FB1] =	sst s7  }
0x10: {  	[smem:$0x3FB2] =	sst s8  }
0x11: {  	[smem:$0x3FB3] =	sst s9;
	s0 =	simm.s32 @!p0 $0x0  }
0x12: {  	s1 =	sld [smem:$0x3F99];
	s0 =	simm.s32 @p0 $0x1  }
0x13: {  	[smem:$0x3FB4] =	sst s0;
	s0 =	simm.s32 @!p1 $0x0  }
0x14: {  	s2 =	sld [smem:$0x3F98];
	s0 =	simm.s32 @p1 $0x1  }
0x15: {  	[smem:$0x3FB5] =	sst s0;
	s0 =	simm.s32 @!p2 $0x0  }
0x16: {  	s3 =	sld [smem:$0x3FDB];
	s0 =	simm.s32 @p2 $0x1  }
0x17: {  	s4 =	simm.s32 $0x1BF5;
	[smem:$0x3FB7] =	sst s0  }
0x18: {  	s0 =	sld [smem:$0x3F9A];
	_ =	swait.ge [sflag:s4], $0x0  }
0x19: {  	s7 =	sld [smem:$0x3F9B]  }
0x1a: {  	s8 =	sadd.s32 $0xFFFFE003, lr  }
0x1b: {  	s9 =	sadd.s32 $0xFFFFFEF7, lr;
	s5 =	simm.s32 $0xFFFFFFFF;
	p2 =	slt.u32 s8, $0xFFFFF086  }
0x1c: {  	p1 =	slt.u32 s9, $0xF7A;
	s5 =	simm.s32 @!p2 $0x0  }
0x1d: {  	s5 =	simm.s32 @p1 $0x1;
	p0 =	seq.s32 s7, s2  }
0x1e: {  	s7 =	smul.u32 @!p0 $0xF7A, s2;
	p2 =	seq.s32 @!p0 s5, $0x0  }
0x1f: {  	s9 =	smul.u32 $0xF7A, s1;
	s8 =	simm.s32 @!p0 $0x1BF5;
	p2 =	por !p2, p0  }
0x20: {  	[sflag:s8] =	ssyncset.s32 @!p0 $0xFFFFF086;
	s6 =	sadd.s32 @!p0 s3, s7;
	s7 =	simm.s32 @!p0 $0x108  }
0x21: {  	s3 =	sadd.s32 s3, s9;
	s6 =	sadd.s32 @!p0 $0x88, s6;
	s7 =	simm.s32 @p2 $0x1082  }
0x22: {  	[simem:s7], [sflag:s8] =	dma.local @!p0 [hbm:s6], $0xF7A  }
0x23: {  	s9 =	sor.u32 $0xD0000000, s2;
	s6 =	simm.s32 $0x108;
	_ =	swait.ge @!p0 [sflag:s8], $0x0  }
0x24: {  	s3 =	sadd.s32 $0x88, s3;
	s6 =	simm.s32 @!p1 $0x1082;
	[sflag:s4] =	ssyncset.s32 $0xFFFFF086  }
0x25: {  	[simem:s6], [sflag:s4] =	dma.local [hbm:s3], $0xF7A  }
0x26: {  	[smem:$0x3F9B] =	sst s1;
	(tag) =	ssettag s2;
	_ =	strace s9  }
0x27: {  	s1 =	sld [smem:$0x3FAB]  }
0x28: {  	s2 =	sld [smem:$0x3FAC]  }
0x29: {  	s4 =	sld [smem:$0x3FAE]  }
0x2a: {  	p0 =	seq.s32 s5, $0x0;
	s5 =	sld [smem:$0x3FAF]  }
0x2b: {  	s6 =	sld [smem:$0x3FB0]  }
0x2c: {  	s7 =	sld [smem:$0x3FB1]  }
0x2d: {  	s3 =	simm.s32 $0x108;
	s8 =	sld [smem:$0x3FB2]  }
0x2e: {  	s3 =	simm.s32 @!p0 $0x1082;
	s9 =	sld [smem:$0x3FB3]  }
0x2f: {  	lr =	sadd.s32 s0, s3;
	s0 =	sld [smem:$0x3FAA]  }
0x30: {  	s3 =	sld [smem:$0x3FAD]  }
0x31: {  	[smem:$0x3FB6] =	sst s10  }
0x32: {  	s10 =	sld [smem:$0x3FB4];
	_ =	sdelay $0x3  }
0x33: {  	p0 =	seq.s32 s10, $0x1;
	s10 =	sld [smem:$0x3FB6];
	_ =	sdelay $0x3  }
0x34: {  	[smem:$0x3FB6] =	sst s10  }
0x35: {  	s10 =	sld [smem:$0x3FB5];
	_ =	sdelay $0x3  }
0x36: {  	p1 =	seq.s32 s10, $0x1;
	s10 =	sld [smem:$0x3FB6];
	_ =	sdelay $0x3  }
0x37: {  	[smem:$0x3FB6] =	sst s10  }
0x38: {  	s10 =	sld [smem:$0x3FB7]  }
0x39: {  	_ = 	snop;
	(pc) =	sbr.ind lr, $3  }
0x3a: {  	_ = 	snop  }
0x3b: {  	_ = 	snop  }
0x3c: {  	p2 =	seq.s32 s10, $0x1;
	s10 =	sld [smem:$0x3FB6]  }
0x3d: {  	_ =	shalt  }
0x3e: {  	_ =	shalt  }
0x3f: {  	_ =	shalt  }
0x40: {  	_ =	shalt  }
0x41: {  	_ =	shalt  }
0x42: {  	_ =	shalt  }
0x43: {  	_ =	shalt  }
0x44: {  	_ =	shalt  }
0x45: {  	_ =	shalt  }
0x46: {  	_ =	shalt  }
0x47: {  	_ =	shalt  }
0x48: {  	_ =	shalt  }
0x49: {  	_ =	shalt  }
0x4a: {  	_ =	shalt  }
0x4b: {  	_ =	shalt  }
0x4c: {  	_ =	shalt  }
0x4d: {  	_ =	shalt  }
0x4e: {  	_ =	shalt  }
0x4f: {  	_ =	shalt  }
0x50: {  	_ =	shalt  }
0x51: {  	_ =	shalt  }
0x52: {  	_ =	shalt  }
0x53: {  	_ =	shalt  }
0x54: {  	_ =	shalt  }
0x55: {  	_ =	shalt  }
0x56: {  	_ =	shalt  }
0x57: {  	_ =	shalt  }
0x58: {  	_ =	shalt  }
0x59: {  	_ =	shalt  }
0x5a: {  	_ =	shalt  }
0x5b: {  	_ =	shalt  }
0x5c: {  	_ =	shalt  }
0x5d: {  	_ =	shalt  }
0x5e: {  	_ =	shalt  }
0x5f: {  	_ =	shalt  }
0x60: {  	_ =	shalt  }
0x61: {  	_ =	shalt  }
0x62: {  	_ =	shalt  }
0x63: {  	_ =	shalt  }
0x64: {  	_ =	shalt  }
0x65: {  	_ =	shalt  }
0x66: {  	_ =	shalt  }
0x67: {  	_ =	shalt  }
0x68: {  	_ =	shalt  }
0x69: {  	_ =	shalt  }
0x6a: {  	_ =	shalt  }
0x6b: {  	_ =	shalt  }
0x6c: {  	_ =	shalt  }
0x6d: {  	_ =	shalt  }
0x6e: {  	_ =	shalt  }
0x6f: {  	_ =	shalt  }
0x70: {  	_ =	shalt  }
0x71: {  	_ =	shalt  }
0x72: {  	_ =	shalt  }
0x73: {  	_ =	shalt  }
0x74: {  	_ =	shalt  }
0x75: {  	_ =	shalt  }
0x76: {  	_ =	shalt  }
0x77: {  	_ =	shalt  }
0x78: {  	_ =	shalt  }
0x79: {  	_ =	shalt  }
0x7a: {  	_ =	shalt  }
0x7b: {  	_ =	shalt  }
0x7c: {  	_ =	shalt  }
0x7d: {  	_ =	shalt  }
0x7e: {  	_ =	shalt  }
0x7f: {  	_ =	shalt  }
0x80: {  	_ =	shalt  }
0x81: {  	_ =	shalt  }
0x82: {  	_ =	shalt  }
0x83: {  	_ =	shalt  }
0x84: {  	_ =	shalt  }
0x85: {  	_ =	shalt  }
0x86: {  	_ =	shalt  }
0x87: {  	_ =	shalt  }
.Lfunc_end0:
.L_simem_size_0:
called_computation_lowered:
.L_overlay_start_0:
0x88: {  	s2 =	sld [smem:$0x3FD9]  }
0x89: {  	s3 =	sld [smem:$0x3FFE];
	_ =	sdelay $0x1  }
0x8a: {  	s1 =	srdreg.scid  }
0x8b: {  	s0 =	sand.u32 $0x1, s1  }
0x8c: {  	s17 =	sshll.u32 s0, $0xA;
	s2 =	sadd.s32 s3, s2  }
0x8d: {  	s2 =	sadd.s32 s2, s17  }
0x8e: {  	[smem:$0x3FC2] =	sst s2  }
0x8f: {  	_ = 	snop  }
0x90: {  	s2 =	sld [smem:$0x3FD0];
	(tm) =	ssettm $0x1  }
0x91: {  	s18 =	sld [smem:$0x3FFB];
	_ =	sdelay $0x3  }
0x92: {  	_ =	strace s18  }
0x93: {  	s3 =	sld [smem:$0x3FFC];
	_ =	sdelay $0x3  }
0x94: {  	_ =	strace s3  }
0x95: {  	s3 =	sld [smem:$0x3FFD];
	_ =	sdelay $0x3  }
0x96: {  	_ =	strace s3  }
0x97: {  	_ =	strace $0x8FFFFFFF  }
0x98: {  	s19 =	sld [smem:$0x3FDB];
	_ =	sdelay $0x1  }
0x99: {  	s4 =	simm.s32 $_scs_section_size  }
0x9a: {  	s5 =	simm.s32 $_size__tile_overlayer_lowered;
	s6 =	simm.s32 $_tile_overlayer_lowered  }
0x9b: {  	s22 =	simm.s32 $0x1BFF;
	s21 =	sshll.u32 s6, $0x1;
	s3 =	sadd.s32 s4, s19  }
0x9c: {  	s7 =	simm.s32 $0x0;
	s20 =	sshll.u32 s5, $0x1;
	s5 =	sadd.s32 s21, s3  }
0x9d: {  	[timem:s7], [sflag:s22] =	dma.local [hbm:s5], s20  }
0x9e: {  	_ =	swait.ge [sflag:s22], s20  }
0x9f: {  	s4 =	ssub.s32 $0x0, s20;
	[sflag:s22] =	ssyncset.done $0x0  }
0xa0: {  	[sflag:s22] =	ssyncadd.s32 s4;
	_ =	sdelay $0x1  }
0xa1: {  	s23 =	simm.s32 $0x1B8B  }
0xa2: {  	_ =	swait.ge [sflag:s23], $0x1  }
0xa3: {  	[sflag:s23] =	ssyncset.done $0x0  }
0xa4: {  	s25 =	simm.s32 $0x1B8E;
	s24 =	sld [smem:$0x3FFE];
	[sflag:s23] =	ssyncadd.s32 $0xFFFFFFFF  }
0xa5: {  	s26 =	simm.s32 $execute0_lowered;
	[smem:$0x3FD2] =	sst s25  }
0xa6: {  	s5 =	sshll.u32 s26, $0x1;
	_ =	strace $0x80000046;
	[dreg:$0x1] =	wrdreg $0xFFFFFFFF  }
0xa7: {  	s28 =	simm.s32 $_size_execute0_lowered;
	s3 =	sadd.s32 s3, s5;
	[dreg:$0x0] =	wrdreg $0x0  }
0xa8: {  	s5 =	sshll.u32 s28, $0x1;
	[dreg:$0x2] =	wrdreg s3  }
0xa9: {  	[dreg:$0x3] =	wrdreg s5  }
0xaa: {  	[dreg:$0x4] =	wrdreg $0xC0  }
0xab: {  	_ =	task [dreg:s7], $0x5FFFF  }
0xac: {  	[dreg:$0x1] =	wrdreg $0xFFFFFFFF  }
0xad: {  	[dreg:$0x0] =	wrdreg $0x60  }
0xae: {  	[dreg:$0x2] =	wrdreg s24  }
0xaf: {  	[dreg:$0x3] =	wrdreg s2  }
0xb0: {  	[dreg:$0x4] =	wrdreg $0xB2800  }
0xb1: {  	[dreg:$0x5] =	wrdreg $0xAD800  }
0xb2: {  	[dreg:$0x6] =	wrdreg $0xB0000  }
0xb3: {  	[dreg:$0x7] =	wrdreg $0x9  }
0xb4: {  	_ =	task.clear_ibuf [dreg:s7], $0x8FFFF;
	_ =	strace $0x90000046  }
0xb5: {  	s29 =	simm.s32 $0x9;
	_ =	strace $0x80000048  }
0xb6: {  	_ =	swait.ge [sflag:s29], $0x1  }
0xb7: {  	[sflag:s29] =	ssyncadd.s32 $0xFFFFFFFF  }
0xb8: {  	_ =	strace $0x90000048  }
0xb9: {  	_ =	sfence  }
0xba: {  	s30 =	sld [smem:$0x0];
	_ =	sdelay $0x2  }
0xbb: {  	s31 =	sshll.u32 s1, $0xD;
	s1 =	sshrl.u32 s1, $0x2  }
0xbc: {  	s3 =	sand.u32 $0x4000, s31;
	s1 =	sadd.s32 s1, s30  }
0xbd: {  	s0 =	sor.u32 s3, s0;
	s1 =	sshll.u32 s1, $0x11  }
0xbe: {  	s0 =	sor.u32 s1, s0  }
0xbf: {  	s0 =	sadd.s32 $0x8F2B, s0  }
0xc0: {  	[sflag:s0] =	ssyncadd.remote.s32 $0x1  }
0xc1: {  	_ =	sfence.sel $0xFFFF  }
0xc2: {  	[dreg:$0x0] =	wrdreg $0xFFFFFFFF;
	(pc) =	sbr.abs _section_cstart, $3  }
0xc3: {  	[dreg:$0x1] =	wrdreg $0xFFFFFFFF  }
0xc4: {  	_ =	task.clear_ibuf [dreg:s7], $0x2FFFF;
	_ =	strace $0x9FFFFFFF  }
0xc5: {  	(tm) =	ssettm $0x7FFFFFFF  }
tec
execute0_lowered:
.L_overlay_start_1:
0x0: {  	(tag) =	ssettag $0x1  }
0x1: {  	s2 =	srdreg.scid  }
0x2: {  	s4 =	rddreg [dreg:$0x0];
	s2 =	sand.u32 $0x1, s2  }
0x3: {  	s5 =	rddreg [dreg:$0x1];
	p0 =	seq.s32 s2, $0x1  }
.Ltmp0:
0x4: {  	s1 =	rddreg [dreg:$0x2];
	(pc) =	sbr.rel @p0 .LBB2_17-.Ltmp0, $4  }
0x5: {  	s13 =	rddreg [dreg:$0x3]  }
0x6: {  	s6 =	rddreg [dreg:$0x4];
	s3 =	simm.s32 $0x0  }
0x7: {  	[smem:$0x7FF] =	sst s3  }
0x8: {  	s0 =	rddreg [dreg:$0x5];
	_ =	strace $0x80000047;
	s2 =	stileid.u32  }
0x9: {  	s7 =	smul.u32 $0x500, s2  }
0xa: {  	s8 =	sadd.s32 $0x43400, s4  }
0xb: {  	s15 =	simm.s32 $0x1;
	s7 =	sadd.s32 s8, s7  }
0xc: {  	[tilespmem:s3], [sflag:$0x1] =	stream.linear.gather [hbm4b:s7+s3], $0x2800, $0x38;
	[tilespmem:$0x15280] =	vst v63  }
0xd: {  	_ =	swait.ge [sflag:s15], $0x2800  }
0xe: {  	[sflag:s15] =	ssyncset.done $0x0  }
0xf: {  	s30 =	sadd.s32 $0x43200, s4;
	s31 =	simm.s32 $0xAD00;
	[sflag:s15] =	ssyncadd.s32 $0xFFFFD800  }
0x10: {  	[tilespmem:s31], [sflag:$0x1] =	stream.linear.gather [hbm4b:s30+s3], $0x80, $0x38;
	[tilespmem:$0x15280] =	vst v63  }
0x11: {  	_ =	swait.ge [sflag:s15], $0x80  }
0x12: {  	[sflag:s15] =	ssyncset.done $0x0  }
0x13: {  	v0 =	vimm.f32 $0.0e+00;
	[sflag:s15] =	ssyncadd.s32 $0xFFFFFF80  }
0x14: {  	[tilespmem:$0xA800] =	vst v0  }
0x15: {  	[tilespmem:$0xA810] =	vst v0  }
0x16: {  	[tilespmem:$0xA820] =	vst v0  }
0x17: {  	[tilespmem:$0xA830] =	vst v0  }
0x18: {  	[tilespmem:$0xA840] =	vst v0  }
0x19: {  	[tilespmem:$0xA850] =	vst v0  }
0x1a: {  	[tilespmem:$0xA860] =	vst v0  }
0x1b: {  	[tilespmem:$0xA870] =	vst v0  }
0x1c: {  	[tilespmem:$0xA880] =	vst v0  }
0x1d: {  	[tilespmem:$0xA890] =	vst v0  }
0x1e: {  	[tilespmem:$0xA8A0] =	vst v0  }
0x1f: {  	[tilespmem:$0xA8B0] =	vst v0  }
0x20: {  	[tilespmem:$0xA8C0] =	vst v0  }
0x21: {  	[tilespmem:$0xA8D0] =	vst v0  }
0x22: {  	[tilespmem:$0xA8E0] =	vst v0  }
0x23: {  	[tilespmem:$0xA8F0] =	vst v0  }
0x24: {  	[tilespmem:$0xA900] =	vst v0  }
0x25: {  	[tilespmem:$0xA910] =	vst v0  }
0x26: {  	[tilespmem:$0xA920] =	vst v0  }
0x27: {  	[tilespmem:$0xA930] =	vst v0  }
0x28: {  	[tilespmem:$0xA940] =	vst v0  }
0x29: {  	[tilespmem:$0xA950] =	vst v0  }
0x2a: {  	[tilespmem:$0xA960] =	vst v0  }
0x2b: {  	[tilespmem:$0xA970] =	vst v0  }
0x2c: {  	[tilespmem:$0xA980] =	vst v0  }
0x2d: {  	[tilespmem:$0xA990] =	vst v0  }
0x2e: {  	[tilespmem:$0xA9A0] =	vst v0  }
0x2f: {  	[tilespmem:$0xA9B0] =	vst v0  }
0x30: {  	[tilespmem:$0xA9C0] =	vst v0  }
0x31: {  	[tilespmem:$0xA9D0] =	vst v0  }
0x32: {  	[tilespmem:$0xA9E0] =	vst v0  }
0x33: {  	[tilespmem:$0xA9F0] =	vst v0  }
0x34: {  	s10 =	smul.u32 $0x50000, s2;
	[tilespmem:$0xAA00] =	vst v0  }
0x35: {  	s9 =	sadd.s32 $0x7200, s4;
	[tilespmem:$0xAA10] =	vst v0  }
0x36: {  	s16 =	simm.s32 $0xA800;
	s26 =	simm.s32 $0x200;
	s10 =	sshrl.u32 s10, $0x2;
	[tilespmem:$0xAA20] =	vst v0  }
0x37: {  	s8 =	sadd.s32 $0x39200, s4;
	s7 =	sadd.s32 $0x2F200, s4;
	s23 =	sadd.s32 s10, s1;
	[tilespmem:$0xAA30] =	vst v0  }
0x38: {  	s4 =	sadd.s32 $0x48400, s4;
	s10 =	smul.u32 $0xA0, s2;
	s25 =	sadd.s32 $0x2000, s23;
	[tilespmem:$0xAA40] =	vst v0  }
0x39: {  	s24 =	sadd.s32 $0x4000, s23;
	s22 =	sadd.s32 $0x6000, s23;
	s3 =	smul.u32 $0x280, s2;
	[tilespmem:$0xAA50] =	vst v0  }
0x3a: {  	s21 =	sadd.s32 $0x8000, s23;
	s19 =	sadd.s32 $0xA000, s23;
	s20 =	sadd.s32 $0xC000, s23;
	[tilespmem:$0xAA60] =	vst v0  }
0x3b: {  	s18 =	sadd.s32 $0xE000, s23;
	s17 =	sadd.s32 $0x10000, s23;
	s14 =	sadd.s32 s3, s13;
	[tilespmem:$0xAA70] =	vst v0  }
0x3c: {  	[spmem:s14] =	stream.linear.scatter [tilespmem:s16], [sflag:$0x1], $0x280, $0x38;
	[tilespmem:$0x15280] =	vst v63  }
0x3d: {  	s11 =	sshrl.u32 s3, $0x3;
	s12 =	sadd.s32 s3, s6;
	_ =	swait.ge [sflag:s15], $0x280  }
0x3e: {  	s11 =	sadd.s32 s5, s11;
	s5 =	smul.u32 $0x14000, s2;
	[sflag:s15] =	ssyncset.done $0x0  }
0x3f: {  	s16 =	sadd.s32 $0x12000, s23;
	[sflag:s15] =	ssyncadd.s32 $0xFFFFFD80;
	s15 =	simm.s32 $0x0  }
.LBB2_2:
0x40: {  	p0 =	sne.s32 s26, $0x7E00;
	[tilespmem:s15+$0x4830] =	vst v0;
	s28 =	smov.u32 s26;
	s26 =	sadd.s32 $0x200, s26  }
.Ltmp1:
0x41: {  	[tilespmem:s15+$0x4820] =	vst v0;
	(pc) =	sbr.rel @p0 .LBB2_2-.Ltmp1, $3  }
0x42: {  	[tilespmem:s15+$0x4800] =	vst v0  }
0x43: {  	[tilespmem:s15+$0x4810] =	vst v0;
	_ =	sdelay $0x1  }
0x44: {  	s15 =	sshra.s32 s28, $0x2  }
0x45: {  	[tilespmem:s15+$0x4830] =	vst v0  }
0x46: {  	[tilespmem:s15+$0x4820] =	vst v0  }
0x47: {  	[tilespmem:s15+$0x4800] =	vst v0  }
0x48: {  	[tilespmem:s15+$0x4810] =	vst v0;
	s26 =	simm.s32 $0x4800;
	s15 =	simm.s32 $0x1  }
0x49: {  	[spmem:s23] =	stream.linear.scatter [tilespmem:s26], [sflag:$0x1], $0x2000, $0x38;
	[tilespmem:$0x15280] =	vst v63  }
0x4a: {  	_ =	swait.ge [sflag:s15], $0x2000  }
0x4b: {  	[sflag:s15] =	ssyncset.done $0x0  }
0x4c: {  	[sflag:s15] =	ssyncadd.s32 $0xFFFFE000  }
0x4d: {  	[spmem:s25] =	stream.linear.scatter [tilespmem:s26], [sflag:$0x1], $0x2000, $0x38;
	[tilespmem:$0x15280] =	vst v63  }
0x4e: {  	_ =	swait.ge [sflag:s15], $0x2000  }
0x4f: {  	[sflag:s15] =	ssyncset.done $0x0  }
0x50: {  	[sflag:s15] =	ssyncadd.s32 $0xFFFFE000  }
0x51: {  	[spmem:s24] =	stream.linear.scatter [tilespmem:s26], [sflag:$0x1], $0x2000, $0x38;
	[tilespmem:$0x15280] =	vst v63  }
0x52: {  	_ =	swait.ge [sflag:s15], $0x2000  }
0x53: {  	[sflag:s15] =	ssyncset.done $0x0  }
0x54: {  	[sflag:s15] =	ssyncadd.s32 $0xFFFFE000  }
0x55: {  	[spmem:s22] =	stream.linear.scatter [tilespmem:s26], [sflag:$0x1], $0x2000, $0x38;
	[tilespmem:$0x15280] =	vst v63  }
0x56: {  	_ =	swait.ge [sflag:s15], $0x2000  }
0x57: {  	[sflag:s15] =	ssyncset.done $0x0  }
0x58: {  	[sflag:s15] =	ssyncadd.s32 $0xFFFFE000  }
0x59: {  	[spmem:s21] =	stream.linear.scatter [tilespmem:s26], [sflag:$0x1], $0x2000, $0x38;
	[tilespmem:$0x15280] =	vst v63  }
0x5a: {  	_ =	swait.ge [sflag:s15], $0x2000  }
0x5b: {  	[sflag:s15] =	ssyncset.done $0x0  }
0x5c: {  	[sflag:s15] =	ssyncadd.s32 $0xFFFFE000  }
0x5d: {  	[spmem:s19] =	stream.linear.scatter [tilespmem:s26], [sflag:$0x1], $0x2000, $0x38;
	[tilespmem:$0x15280] =	vst v63  }
0x5e: {  	_ =	swait.ge [sflag:s15], $0x2000  }
0x5f: {  	[sflag:s15] =	ssyncset.done $0x0  }
0x60: {  	[sflag:s15] =	ssyncadd.s32 $0xFFFFE000  }
0x61: {  	[spmem:s20] =	stream.linear.scatter [tilespmem:s26], [sflag:$0x1], $0x2000, $0x38;
	[tilespmem:$0x15280] =	vst v63  }
0x62: {  	_ =	swait.ge [sflag:s15], $0x2000  }
0x63: {  	[sflag:s15] =	ssyncset.done $0x0  }
0x64: {  	[sflag:s15] =	ssyncadd.s32 $0xFFFFE000  }
0x65: {  	[spmem:s18] =	stream.linear.scatter [tilespmem:s26], [sflag:$0x1], $0x2000, $0x38;
	[tilespmem:$0x15280] =	vst v63  }
0x66: {  	_ =	swait.ge [sflag:s15], $0x2000  }
0x67: {  	[sflag:s15] =	ssyncset.done $0x0  }
0x68: {  	[sflag:s15] =	ssyncadd.s32 $0xFFFFE000  }
0x69: {  	[spmem:s17] =	stream.linear.scatter [tilespmem:s26], [sflag:$0x1], $0x2000, $0x38;
	[tilespmem:$0x15280] =	vst v63  }
0x6a: {  	_ =	swait.ge [sflag:s15], $0x2000  }
0x6b: {  	[sflag:s15] =	ssyncset.done $0x0  }
0x6c: {  	s17 =	smul.u32 $0xA00, s2;
	[sflag:s15] =	ssyncadd.s32 $0xFFFFE000  }
0x6d: {  	[spmem:s16] =	stream.linear.scatter [tilespmem:s26], [sflag:$0x1], $0x2000, $0x38;
	[tilespmem:$0x15280] =	vst v63  }
0x6e: {  	s16 =	simm.s32 $0x0;
	_ =	swait.ge [sflag:s15], $0x2000  }
0x6f: {  	s25 =	sadd.s32 $0x0, s17;
	s26 =	sand.u32 $0x70, s16;
	[sflag:s15] =	ssyncset.done $0x0  }
0x70: {  	s28 =	sand.u32 $0x1FF80, s25;
	s19 =	sadd.s32 s8, s26;
	[sflag:s15] =	ssyncadd.s32 $0xFFFFE000  }
0x71: {  	s18 =	simm.s32 $0xAC00;
	s19 =	sadd.s32 s28, s19;
	[bflag:$0x0] =	sbarrier.arrive $0xFFFF  }
0x72: {  	[tilespmem:s18], [sflag:$0x1] =	stream.linear.gather [hbm4b:s19+s16], $0x80, $0x38;
	[tilespmem:$0x15280] =	vst v63  }
0x73: {  	s29 =	simm.s32 $0x10;
	_ =	swait.ge [sflag:s15], $0x80  }
0x74: {  	s31 =	sand.u32 $0x70, s29;
	[sflag:s15] =	ssyncset.done $0x0  }
0x75: {  	s23 =	sadd.s32 s8, s31;
	s19 =	simm.s32 $0x40;
	[sflag:s15] =	ssyncadd.s32 $0xFFFFFF80  }
0x76: {  	[spmem:s13] =	stream.indirect.scatter.add.f32 [tilespmem:s16], [sflag:$0x1], $0x1, s18, s19, $0xb8;
	[tilespmem:$0x15280] =	vst v63  }
0x77: {  	s21 =	simm.s32 $0x20;
	s30 =	sadd.s32 $0x10, s17;
	_ =	swait.ge [sflag:s15], $0x40  }
0x78: {  	s20 =	simm.s32 $0x40;
	s22 =	sand.u32 $0x1FF80, s30;
	[sflag:s15] =	ssyncset.done $0x0  }
.LBB2_4:
0x79: {  	s22 =	sadd.s32 s22, s23;
	[sflag:s15] =	ssyncadd.s32 $0xFFFFFFC0  }
0x7a: {  	s23 =	smov.u32 s21;
	s24 =	sadd.s32 $0x10, s21;
	s25 =	smov.u32 s20  }
0x7b: {  	[tilespmem:s18], [sflag:$0x1] =	stream.linear.gather [hbm4b:s22+s16], $0x80, $0x38;
	[tilespmem:$0x15280] =	vst v63  }
0x7c: {  	p0 =	sne.s32 s21, $0x9F0;
	_ =	swait.ge [sflag:s15], $0x80  }
.Ltmp2:
0x7d: {  	[sflag:s15] =	ssyncset.done $0x0;
	(pc) =	sbr.rel @p0 .LBB2_4-.Ltmp2, $4  }
0x7e: {  	s20 =	sadd.s32 $0x40, s20;
	s21 =	sadd.s32 s23, s17;
	[sflag:s15] =	ssyncadd.s32 $0xFFFFFF80  }
0x7f: {  	[spmem:s13] =	stream.indirect.scatter.add.f32 [tilespmem:s25], [sflag:$0x1], $0x1, s18, s19, $0xb8;
	[tilespmem:$0x15280] =	vst v63  }
0x80: {  	s23 =	sand.u32 $0x70, s23;
	s22 =	sand.u32 $0x1FF80, s21;
	_ =	swait.ge [sflag:s15], $0x40  }
0x81: {  	s23 =	sadd.s32 s8, s23;
	s21 =	smov.u32 s24;
	[sflag:s15] =	ssyncset.done $0x0  }
0x82: {  	s17 =	sadd.s32 s22, s23;
	[sflag:s15] =	ssyncadd.s32 $0xFFFFFFC0  }
0x83: {  	[tilespmem:s18], [sflag:$0x1] =	stream.linear.gather [hbm4b:s17+s16], $0x80, $0x38;
	[tilespmem:$0x15280] =	vst v63  }
0x84: {  	_ =	swait.ge [sflag:s15], $0x80  }
0x85: {  	[sflag:s15] =	ssyncset.done $0x0  }
0x86: {  	[sflag:s15] =	ssyncadd.s32 $0xFFFFFF80  }
0x87: {  	[spmem:s13] =	stream.indirect.scatter.add.f32 [tilespmem:s20], [sflag:$0x1], $0x1, s18, s19, $0xb8;
	[tilespmem:$0x15280] =	vst v63  }
0x88: {  	_ =	swait.ge [sflag:s15], $0x40  }
0x89: {  	[sflag:s15] =	ssyncset.done $0x0  }
0x8a: {  	[sflag:s15] =	ssyncadd.s32 $0xFFFFFFC0  }
0x8b: {  	s30 =	simm.s32 $0xA800;
	s31 =	simm.s32 $0x1;
	[bflag:$0x0] =	sbarrier.arrive $0xFFFF  }
0x8c: {  	[tilespmem:s30], [sflag:$0x1] =	stream.linear.gather [spmem:s14], $0x280, $0x38;
	[tilespmem:$0x15280] =	vst v63  }
0x8d: {  	_ =	swait.ge [sflag:s31], $0x280  }
0x8e: {  	[sflag:s31] =	ssyncset.done $0x0  }
0x8f: {  	s13 =	simm.s32 $0x0;
	s14 =	simm.s32 $0x40;
	[sflag:s31] =	ssyncadd.s32 $0xFFFFFD80  }
.LBB2_6:
0x90: {  	p0 =	sne.s32 s14, $0x9C0;
	v0 =	vld [tilespmem:s13+$0xA800];
	_ =	sdelay $0x4  }
0x91: {  	v0 =	vadd.f32 $9.999999930e-09, v0;
	_ =	sdelay $0x1  }
0x92: {  	v1 =	vshrl.u32 v0, $0x1;
	v0 =	vmul.f32 $5.000000000e-01, v0  }
0x93: {  	v1 =	vsub.s32 $0x5F3759DF, v1  }
0x94: {  	v2 =	vmul.f32 v1, v0;
	_ =	sdelay $0x1  }
0x95: {  	v2 =	vmul.f32 v1, v2;
	_ =	sdelay $0x1  }
0x96: {  	v2 =	vsub.f32 $1.500000000e+00, v2;
	_ =	sdelay $0x1  }
0x97: {  	v1 =	vmul.f32 v1, v2;
	_ =	sdelay $0x1  }
0x98: {  	v2 =	vmul.f32 v1, v0;
	_ =	sdelay $0x1  }
0x99: {  	v2 =	vmul.f32 v2, v1;
	_ =	sdelay $0x1  }
0x9a: {  	v2 =	vsub.f32 $1.500000000e+00, v2;
	_ =	sdelay $0x1  }
0x9b: {  	v1 =	vmul.f32 v2, v1;
	_ =	sdelay $0x1  }
0x9c: {  	v2 =	vmul.f32 v1, v0;
	_ =	sdelay $0x1  }
0x9d: {  	v2 =	vmul.f32 v2, v1;
	_ =	sdelay $0x1  }
0x9e: {  	v2 =	vsub.f32 $1.500000000e+00, v2;
	_ =	sdelay $0x1  }
0x9f: {  	v1 =	vmul.f32 v2, v1;
	_ =	sdelay $0x1  }
0xa0: {  	v0 =	vmul.f32 v1, v0;
	_ =	sdelay $0x1  }
0xa1: {  	v0 =	vmul.f32 v0, v1;
	_ =	sdelay $0x1  }
.Ltmp3:
0xa2: {  	v0 =	vsub.f32 $1.500000000e+00, v0;
	(pc) =	sbr.rel @p0 .LBB2_6-.Ltmp3, $3  }
0xa3: {  	_ = 	snop  }
0xa4: {  	v0 =	vmul.f32 v0, v1;
	_ =	sdelay $0x1  }
0xa5: {  	[tilespmem:s13+$0xA800] =	vst v0;
	s13 =	sshra.s32 s14, $0x2;
	s14 =	sadd.s32 $0x40, s14  }
0xa6: {  	v0 =	vld [tilespmem:s13+$0xA800];
	_ =	sdelay $0x4  }
0xa7: {  	v0 =	vadd.f32 $9.999999930e-09, v0;
	_ =	sdelay $0x1  }
0xa8: {  	v1 =	vshrl.u32 v0, $0x1;
	v0 =	vmul.f32 $5.000000000e-01, v0  }
0xa9: {  	v1 =	vsub.s32 $0x5F3759DF, v1  }
0xaa: {  	v2 =	vmul.f32 v1, v0;
	_ =	sdelay $0x1  }
0xab: {  	v2 =	vmul.f32 v1, v2;
	_ =	sdelay $0x1  }
0xac: {  	v2 =	vsub.f32 $1.500000000e+00, v2;
	_ =	sdelay $0x1  }
0xad: {  	v1 =	vmul.f32 v1, v2;
	_ =	sdelay $0x1  }
0xae: {  	v2 =	vmul.f32 v1, v0;
	_ =	sdelay $0x1  }
0xaf: {  	v2 =	vmul.f32 v2, v1;
	_ =	sdelay $0x1  }
0xb0: {  	v2 =	vsub.f32 $1.500000000e+00, v2;
	_ =	sdelay $0x1  }
0xb1: {  	v1 =	vmul.f32 v2, v1;
	_ =	sdelay $0x1  }
0xb2: {  	v2 =	vmul.f32 v1, v0;
	_ =	sdelay $0x1  }
0xb3: {  	v2 =	vmul.f32 v2, v1;
	_ =	sdelay $0x1  }
0xb4: {  	v2 =	vsub.f32 $1.500000000e+00, v2;
	_ =	sdelay $0x1  }
0xb5: {  	v1 =	vmul.f32 v2, v1;
	_ =	sdelay $0x1  }
0xb6: {  	v0 =	vmul.f32 v1, v0;
	_ =	sdelay $0x1  }
0xb7: {  	v0 =	vmul.f32 v0, v1;
	_ =	sdelay $0x1  }
0xb8: {  	v0 =	vsub.f32 $1.500000000e+00, v0;
	_ =	sdelay $0x1  }
0xb9: {  	v0 =	vmul.f32 v0, v1;
	_ =	sdelay $0x1  }
0xba: {  	s14 =	simm.s32 $0xA800;
	[tilespmem:s13+$0xA800] =	vst v0  }
0xbb: {  	[spmem:s12] =	stream.linear.scatter [tilespmem:s14], [sflag:$0x1], $0x280, $0x38;
	[tilespmem:$0x15280] =	vst v63  }
0xbc: {  	s12 =	simm.s32 $0x1  }
0xbd: {  	_ =	swait.ge [sflag:s12], $0x280  }
0xbe: {  	[sflag:s12] =	ssyncset.done $0x0  }
0xbf: {  	s13 =	simm.s32 $0x0;
	[sflag:s12] =	ssyncadd.s32 $0xFFFFFD80  }
0xc0: {  	[hbm4b:s11+s13] =	stream.linear.scatter [tilespmem:s14], [sflag:$0x1], $0x280, $0x38;
	[tilespmem:$0x15280] =	vst v63  }
0xc1: {  	s15 =	simm.s32 $0x40;
	s16 =	simm.s32 $0x2800;
	_ =	swait.ge [sflag:s12], $0x280  }
0xc2: {  	s17 =	simm.s32 $0xAA80;
	s18 =	simm.s32 $0xAB00;
	[sflag:s12] =	ssyncset.done $0x0  }
0xc3: {  	s19 =	simm.s32 $0x4800;
	s20 =	simm.s32 $0x0;
	[sflag:s12] =	ssyncadd.s32 $0xFFFFFD80  }
0xc4: {  	s11 =	simm.s32 $0xAB80;
	s14 =	simm.s32 $0xAC00;
	[bflag:$0x0] =	sbarrier.arrive $0xFFFF  }
.LBB2_8:
0xc5: {  	s21 =	sadd.s32 s10, s20  }
0xc6: {  	s22 =	sshll.u32 s20, $0x4;
	s21 =	sshll.u32 s21, $0x4  }
0xc7: {  	s22 =	sand.u32 $0x70, s22;
	s21 =	sand.u32 $0x1FF80, s21  }
0xc8: {  	s21 =	sor.u32 s22, s21  }
0xc9: {  	s22 =	sadd.s32 s7, s21  }
0xca: {  	[tilespmem:s11], [sflag:$0x1] =	stream.linear.gather [hbm4b:s22+s13], $0x80, $0x38;
	[tilespmem:$0x15280] =	vst v63  }
0xcb: {  	_ =	swait.ge [sflag:s12], $0x80  }
0xcc: {  	[sflag:s12] =	ssyncset.done $0x0  }
0xcd: {  	s21 =	sadd.s32 s8, s21;
	[sflag:s12] =	ssyncadd.s32 $0xFFFFFF80  }
0xce: {  	[tilespmem:s14], [sflag:$0x1] =	stream.linear.gather [hbm4b:s21+s13], $0x80, $0x38;
	[tilespmem:$0x15280] =	vst v63  }
0xcf: {  	_ =	swait.ge [sflag:s12], $0x80  }
0xd0: {  	[sflag:s12] =	ssyncset.done $0x0  }
0xd1: {  	[sflag:s12] =	ssyncadd.s32 $0xFFFFFF80  }
0xd2: {  	[tilespmem:s16], [sflag:$0x1] =	stream.indirect.gather [hbm4b:s9+s15], $0x80, s11, s15, $0xb8;
	[tilespmem:$0x15280] =	vst v63  }
0xd3: {  	_ =	swait.ge [sflag:s12], $0x2000  }
0xd4: {  	[sflag:s12] =	ssyncset.done $0x0  }
0xd5: {  	[sflag:s12] =	ssyncadd.s32 $0xFFFFE000  }
0xd6: {  	[tilespmem:s17], [sflag:$0x1] =	stream.indirect.gather [spmem:s6], $0x1, s11, s15, $0xb8;
	[tilespmem:$0x15280] =	vst v63  }
0xd7: {  	_ =	swait.ge [sflag:s12], $0x40  }
0xd8: {  	[sflag:s12] =	ssyncset.done $0x0  }
0xd9: {  	s31 =	sshll.u32 s20, $0x6;
	[sflag:s12] =	ssyncadd.s32 $0xFFFFFFC0  }
0xda: {  	[tilespmem:s18], [sflag:$0x1] =	stream.indirect.gather [spmem:s6], $0x1, s14, s15, $0xb8;
	[tilespmem:$0x15280] =	vst v63  }
0xdb: {  	s23 =	sand.u32 $0x3FFFFFC0, s31;
	_ =	swait.ge [sflag:s12], $0x40  }
0xdc: {  	v0 =	vmov s23;
	s23 =	simm.s32 $0x0;
	[sflag:s12] =	ssyncset.done $0x0  }
0xdd: {  	s22 =	simm.s32 $0x4820;
	s21 =	simm.s32 $0x2820;
	[sflag:s12] =	ssyncadd.s32 $0xFFFFFFC0  }
.LBB2_9:
0xde: {  	_ =	sdelay $0x1  }
0xdf: {  	s24 =	sshll.u32 s23, $0x4  }
0xe0: {  	v1 =	vld [tilespmem:s24+$0xAA80]  }
0xe1: {  	v2 =	vld.idx.msk [tilespmem:v0+s24+$0x0 ss:$0x1], $0xffff;
	_ =	sdelay $0x1  }
0xe2: {  	v3 =	vld [tilespmem:s24+$0xAB00];
	_ =	sdelay $0x2  }
0xe3: {  	v1 =	vmul.f32 v2, v1  }
0xe4: {  	v2 =	vld [tilespmem:s21+$0xFFFFFFE0]  }
0xe5: {  	s31 =	simm.s32 $0x0;
	v1 =	vmul.f32 v3, v1  }
0xe6: {  	v3 =	vmov s31  }
0xe7: {  	v3 =	vperm.xlane v1, v3;
	_ =	sdelay $0x1  }
0xe8: {  	v2 =	vmul.f32 v2, v3;
	_ =	sdelay $0x1  }
0xe9: {  	[tilespmem:s22+$0xFFFFFFE0] =	vst v2  }
0xea: {  	v2 =	vld [tilespmem:s21+$0xFFFFFFF0];
	_ =	sdelay $0x4  }
0xeb: {  	v2 =	vmul.f32 v2, v3;
	_ =	sdelay $0x1  }
0xec: {  	[tilespmem:s22+$0xFFFFFFF0] =	vst v2  }
0xed: {  	v2 =	vld [tilespmem:s21+$0x0];
	_ =	sdelay $0x4  }
0xee: {  	v2 =	vmul.f32 v2, v3;
	_ =	sdelay $0x1  }
0xef: {  	[tilespmem:s22+$0x0] =	vst v2  }
0xf0: {  	v2 =	vld [tilespmem:s21+$0x10];
	_ =	sdelay $0x4  }
0xf1: {  	v2 =	vmul.f32 v2, v3;
	_ =	sdelay $0x1  }
0xf2: {  	s24 =	sadd.s32 $0x80, s21;
	[tilespmem:s22+$0x10] =	vst v2  }
0xf3: {  	s26 =	simm.s32 $0x1;
	s28 =	simm.s32 $0x2;
	s25 =	smov.u32 s22;
	v2 =	vld [tilespmem:s24+$0xFFFFFFE0]  }
.LBB2_10:
0xf4: {  	p0 =	sne.s32 s28, $0xF  }
0xf5: {  	v3 =	vmov s26;
	s26 =	smov.u32 s28  }
0xf6: {  	v3 =	vperm.xlane v1, v3;
	_ =	sdelay $0x1  }
0xf7: {  	v2 =	vmul.f32 v2, v3  }
0xf8: {  	s25 =	sadd.s32 $0x80, s25  }
0xf9: {  	[tilespmem:s25+$0xFFFFFFE0] =	vst v2  }
0xfa: {  	v2 =	vld [tilespmem:s24+$0xFFFFFFF0];
	_ =	sdelay $0x4  }
0xfb: {  	v2 =	vmul.f32 v2, v3;
	_ =	sdelay $0x1  }
0xfc: {  	[tilespmem:s25+$0xFFFFFFF0] =	vst v2  }
0xfd: {  	v2 =	vld [tilespmem:s24+$0x0];
	_ =	sdelay $0x4  }
0xfe: {  	v2 =	vmul.f32 v2, v3;
	_ =	sdelay $0x1  }
0xff: {  	[tilespmem:s25+$0x0] =	vst v2  }
0x100: {  	v2 =	vld [tilespmem:s24+$0x10];
	_ =	sdelay $0x3  }
.Ltmp4:
0x101: {  	(pc) =	sbr.rel @p0 .LBB2_10-.Ltmp4, $3  }
0x102: {  	v2 =	vmul.f32 v2, v3;
	_ =	sdelay $0x1  }
0x103: {  	s24 =	sadd.s32 $0x80, s24;
	[tilespmem:s25+$0x10] =	vst v2  }
0x104: {  	s28 =	sadd.s32 $0x1, s28;
	v2 =	vld [tilespmem:s24+$0xFFFFFFE0]  }
0x105: {  	_ = 	snop  }
0x106: {  	v3 =	vmov s26  }
0x107: {  	v1 =	vperm.xlane v1, v3;
	_ =	sdelay $0x1  }
0x108: {  	v2 =	vmul.f32 v2, v1  }
0x109: {  	s25 =	sadd.s32 $0x80, s25  }
0x10a: {  	[tilespmem:s25+$0xFFFFFFE0] =	vst v2  }
0x10b: {  	v2 =	vld [tilespmem:s24+$0xFFFFFFF0];
	_ =	sdelay $0x4  }
0x10c: {  	v2 =	vmul.f32 v2, v1;
	_ =	sdelay $0x1  }
0x10d: {  	[tilespmem:s25+$0xFFFFFFF0] =	vst v2  }
0x10e: {  	v2 =	vld [tilespmem:s24+$0x0];
	_ =	sdelay $0x4  }
0x10f: {  	v2 =	vmul.f32 v2, v1;
	_ =	sdelay $0x1  }
0x110: {  	[tilespmem:s25+$0x0] =	vst v2  }
0x111: {  	v2 =	vld [tilespmem:s24+$0x10]  }
0x112: {  	s23 =	sadd.s32 $0x1, s23  }
0x113: {  	p0 =	sne.s32 s23, $0x4  }
.Ltmp5:
0x114: {  	_ = 	snop;
	(pc) =	sbr.rel @p0 .LBB2_9-.Ltmp5, $3  }
0x115: {  	_ = 	snop  }
0x116: {  	v1 =	vmul.f32 v2, v1;
	_ =	sdelay $0x1  }
0x117: {  	s21 =	sadd.s32 $0x800, s21;
	s22 =	sadd.s32 $0x800, s22;
	[tilespmem:s25+$0x10] =	vst v1  }
0x118: {  	s20 =	sadd.s32 $0x1, s20  }
0x119: {  	p0 =	sne.s32 s20, $0xA0  }
.Ltmp6:
0x11a: {  	_ = 	snop;
	(pc) =	sbr.rel @p0 .LBB2_8-.Ltmp6, $4  }
0x11b: {  	[spmem:s1] =	stream.indirect.scatter.add.f32 [tilespmem:s19], [sflag:$0x1], $0x40, s14, s15, $0xb8;
	[tilespmem:$0x15280] =	vst v63  }
0x11c: {  	_ =	swait.ge [sflag:s12], $0x1000  }
0x11d: {  	[sflag:s12] =	ssyncset.done $0x0  }
0x11e: {  	[sflag:s12] =	ssyncadd.s32 $0xFFFFF000  }
0x11f: {  	[bflag:$0x0] =	sbarrier.arrive $0xFFFF;
	s6 =	simm.s32 $0x0  }
0x120: {  	s7 =	simm.s32 $0x40;
	s8 =	simm.s32 $0xAC80;
	s9 =	simm.s32 $0x6800  }
0x121: {  	v0 =	vlaneseq.u32;
	s10 =	simm.s32 $0x1;
	v1 =	vimm.f32 $0.0e+00;
	s11 =	simm.s32 $0x8800;
	s12 =	simm.s32 $0x0  }
.LBB2_14:
0x122: {  	s13 =	sshll.u32 s12, $0x6  }
0x123: {  	s13 =	sadd.s32 s3, s13  }
0x124: {  	v2 =	vor.u32 s13, v0;
	s14 =	sor.u32 $0x10, s13  }
0x125: {  	s31 =	sor.u32 $0x20, s13;
	[tilespmem:$0xAC80] =	vst v2;
	v2 =	vor.u32 s14, v0  }
0x126: {  	s13 =	sor.u32 $0x30, s13;
	[tilespmem:$0xAC90] =	vst v2;
	v2 =	vor.u32 s31, v0  }
0x127: {  	[tilespmem:$0xACA0] =	vst v2;
	v2 =	vor.u32 s13, v0  }
0x128: {  	[tilespmem:$0xACB0] =	vst v2  }
0x129: {  	[tilespmem:s9], [sflag:$0x1] =	stream.indirect.gather [spmem:s1], $0x40, s8, s7, $0xb8;
	[tilespmem:$0x15280] =	vst v63  }
0x12a: {  	_ =	swait.ge [sflag:s10], $0x1000  }
0x12b: {  	[sflag:s10] =	ssyncset.done $0x0  }
0x12c: {  	s13 =	simm.s32 $0x0;
	[sflag:s10] =	ssyncadd.s32 $0xFFFFF000  }
0x12d: {  	v2 =	vld [tilespmem:s13+$0x6800]  }
0x12e: {  	v3 =	vld [tilespmem:$0xAD00];
	_ =	sdelay $0x3  }
0x12f: {  	vm0 =	vgt.f32 v2, $0.0e+00  }
0x130: {  	v2 =	vnsel vm0, $0x0, v3  }
0x131: {  	[tilespmem:s13+$0x8800] =	vst v2;
	v2 =	vld [tilespmem:s13+$0x6810]  }
0x132: {  	v3 =	vld [tilespmem:$0xAD10];
	_ =	sdelay $0x3  }
0x133: {  	vm13 =	vgt.f32 v2, $0.0e+00  }
0x134: {  	v2 =	vnsel vm13, $0x0, v3  }
0x135: {  	[tilespmem:s13+$0x8810] =	vst v2;
	v2 =	vld [tilespmem:s13+$0x6820]  }
0x136: {  	v3 =	vld [tilespmem:$0xAD20];
	_ =	sdelay $0x3  }
0x137: {  	vm14 =	vgt.f32 v2, $0.0e+00  }
0x138: {  	v2 =	vnsel vm14, $0x0, v3  }
0x139: {  	[tilespmem:s13+$0x8820] =	vst v2;
	v2 =	vld [tilespmem:s13+$0x6830]  }
0x13a: {  	v3 =	vld [tilespmem:$0xAD30];
	_ =	sdelay $0x1  }
0x13b: {  	[tilespmem:s13+$0x8840] =	vst v1  }
0x13c: {  	[tilespmem:s13+$0x8850] =	vst v1  }
0x13d: {  	[tilespmem:s13+$0x8860] =	vst v1;
	vm15 =	vgt.f32 v2, $0.0e+00  }
0x13e: {  	s15 =	simm.s32 $0x80;
	s14 =	simm.s32 $0x400;
	[tilespmem:s13+$0x8870] =	vst v1;
	v2 =	vnsel vm15, $0x0, v3  }
.LBB2_15:
0x13f: {  	p0 =	sne.s32 s14, $0x7E00;
	v3 =	vld [tilespmem:s15+$0x6800];
	[tilespmem:s13+$0x8830] =	vst v2;
	s13 =	smov.u32 s15  }
0x140: {  	v2 =	vld [tilespmem:$0xAD00];
	_ =	sdelay $0x3  }
0x141: {  	vm0 =	vgt.f32 v3, $0.0e+00  }
0x142: {  	v2 =	vnsel vm0, $0x0, v2  }
0x143: {  	[tilespmem:s13+$0x8800] =	vst v2;
	v2 =	vld [tilespmem:s13+$0x6810]  }
0x144: {  	v3 =	vld [tilespmem:$0xAD10];
	_ =	sdelay $0x3  }
0x145: {  	vm0 =	vgt.f32 v2, $0.0e+00  }
0x146: {  	v2 =	vnsel vm0, $0x0, v3  }
0x147: {  	[tilespmem:s13+$0x8810] =	vst v2;
	v2 =	vld [tilespmem:s13+$0x6820]  }
0x148: {  	v3 =	vld [tilespmem:$0xAD20];
	_ =	sdelay $0x3  }
0x149: {  	vm0 =	vgt.f32 v2, $0.0e+00  }
0x14a: {  	v2 =	vnsel vm0, $0x0, v3  }
0x14b: {  	[tilespmem:s13+$0x8820] =	vst v2;
	v2 =	vld [tilespmem:s13+$0x6830]  }
0x14c: {  	v3 =	vld [tilespmem:$0xAD30];
	[tilespmem:s13+$0x8840] =	vst v1  }
.Ltmp7:
0x14d: {  	[tilespmem:s13+$0x8850] =	vst v1;
	(pc) =	sbr.rel @p0 .LBB2_15-.Ltmp7, $4  }
0x14e: {  	[tilespmem:s13+$0x8860] =	vst v1  }
0x14f: {  	[tilespmem:s13+$0x8870] =	vst v1  }
0x150: {  	vm0 =	vgt.f32 v2, $0.0e+00  }
0x151: {  	s15 =	sshra.s32 s14, $0x2;
	s14 =	sadd.s32 $0x200, s14;
	v2 =	vnsel vm0, $0x0, v3  }
0x152: {  	v3 =	vld [tilespmem:s15+$0x6800];
	[tilespmem:s13+$0x8830] =	vst v2  }
0x153: {  	v2 =	vld [tilespmem:$0xAD00];
	_ =	sdelay $0x3  }
0x154: {  	vm0 =	vgt.f32 v3, $0.0e+00  }
0x155: {  	v2 =	vnsel vm0, $0x0, v2  }
0x156: {  	[tilespmem:s15+$0x8800] =	vst v2;
	v2 =	vld [tilespmem:s15+$0x6810]  }
0x157: {  	v3 =	vld [tilespmem:$0xAD10];
	_ =	sdelay $0x3  }
0x158: {  	vm13 =	vgt.f32 v2, $0.0e+00  }
0x159: {  	v2 =	vnsel vm13, $0x0, v3  }
0x15a: {  	[tilespmem:s15+$0x8810] =	vst v2;
	v2 =	vld [tilespmem:s15+$0x6820]  }
0x15b: {  	v3 =	vld [tilespmem:$0xAD20];
	_ =	sdelay $0x3  }
0x15c: {  	vm14 =	vgt.f32 v2, $0.0e+00  }
0x15d: {  	v2 =	vnsel vm14, $0x0, v3  }
0x15e: {  	[tilespmem:s15+$0x8820] =	vst v2;
	v2 =	vld [tilespmem:s15+$0x6830]  }
0x15f: {  	v3 =	vld [tilespmem:$0xAD30];
	_ =	sdelay $0x1  }
0x160: {  	[tilespmem:s15+$0x8840] =	vst v1  }
0x161: {  	s31 =	sshll.u32 s12, $0xD;
	[tilespmem:s15+$0x8850] =	vst v1  }
0x162: {  	s12 =	sadd.s32 $0x1, s12;
	s13 =	sadd.s32 s5, s31;
	[tilespmem:s15+$0x8860] =	vst v1;
	vm15 =	vgt.f32 v2, $0.0e+00  }
0x163: {  	p0 =	sne.s32 s12, $0xA;
	s13 =	sshrl.u32 s13, $0x3;
	[tilespmem:s15+$0x8870] =	vst v1;
	v2 =	vnsel vm15, $0x0, v3  }
.Ltmp8:
0x164: {  	s13 =	sadd.s32 s4, s13;
	[tilespmem:s15+$0x8830] =	vst v2;
	(pc) =	sbr.rel @p0 .LBB2_14-.Ltmp8, $4  }
0x165: {  	[hbm4b:s13+s6] =	stream.linear.scatter [tilespmem:s11], [sflag:$0x1], $0x2000, $0x38;
	[tilespmem:$0x15280] =	vst v63  }
0x166: {  	_ =	swait.ge [sflag:s10], $0x2000  }
0x167: {  	[sflag:s10] =	ssyncset.done $0x0  }
0x168: {  	[sflag:s10] =	ssyncadd.s32 $0xFFFFE000  }
.LBB2_17:
0x169: {  	_ =	sfence.sel $0x180000  }
0x16a: {  	[bflag:$0x0] =	sbarrier.arrive $0xFFFF  }
0x16b: {  	p0 =	sne.s32 s2, $0x0;
	_ =	strace $0x90000047  }
0x16c: {  	s0 =	sadd.s32 @!p0 $0x100000, s0;
	[bflag:$0x2] =	sbarrier.arrive $0xFFFF  }
0x16d: {  	[sflag:s0] =	ssyncadd.tile.s32 @!p0 $0x1;
	_ =	shalt  }
.Lfunc_end2:
_tile_overlayer_lowered:
.L_overlay_start_2:
0x16e: {  	(tag) =	ssettag $0x2  }
0x16f: {  	s0 =	rddreg [dreg:$0x0];
	s2 =	stileid.u32  }
0x170: {  	s1 =	rddreg [dreg:$0x1];
	p0 =	sne.s32 s2, $0x0  }
0x171: {  	s3 =	rddreg [dreg:$0x2];
	[bflag:$0x3] =	sbarrier.arrive $0xFFFF;
	s2 =	simm.s32 @!p0 $0x1C01  }
0x172: {  	[timem:s3], [sflag:s2] =	dma.local @!p0 [hbm:s0], s1  }
0x173: {  	s0 =	simm.s32 @!p0 $0x1  }
0x174: {  	_ =	swait.ge @!p0 [sflag:s0], s1  }
0x175: {  	s1 =	ssub.s32 @!p0 $0x0, s1;
	[sflag:s0] =	ssyncset.done @!p0 $0x0  }
0x176: {  	[sflag:s0] =	ssyncadd.s32 @!p0 s1  }
0x177: {  	[bflag:$0x3] =	sbarrier.arrive $0xFFFF  }
0x178: {  	_ =	shalt  }

// kernel: body.13.cloned.1.call-start
scs
__scs_entry_jumppad:
0x0: {  	(pc) =	sbr.rel $0x88, $3  }
0x1: {  	(tag) =	ssettag $0x0;
	lr =	simm.s32 $0x1  }
0x2: {  	[smem:$0x3F9B] =	sst lr;
	_ =	strace $0xD0000000  }
0x3: {  	_ = 	snop  }
0x4: {  	_ = 	snop  }
0x5: {  	_ = 	snop  }
0x6: {  	_ = 	snop  }
0x7: {  	_ = 	snop  }
__scs_overlays_trampoline_lowered:
0x8: {  	[smem:$0x3FAA] =	sst s0  }
0x9: {  	[smem:$0x3FAB] =	sst s1  }
0xa: {  	[smem:$0x3FAC] =	sst s2  }
0xb: {  	[smem:$0x3FAD] =	sst s3  }
0xc: {  	[smem:$0x3FAE] =	sst s4  }
0xd: {  	[smem:$0x3FAF] =	sst s5  }
0xe: {  	[smem:$0x3FB0] =	sst s6  }
0xf: {  	[smem:$0x3FB1] =	sst s7  }
0x10: {  	[smem:$0x3FB2] =	sst s8  }
0x11: {  	[smem:$0x3FB3] =	sst s9;
	s0 =	simm.s32 @!p0 $0x0  }
0x12: {  	s1 =	sld [smem:$0x3F99];
	s0 =	simm.s32 @p0 $0x1  }
0x13: {  	[smem:$0x3FB4] =	sst s0;
	s0 =	simm.s32 @!p1 $0x0  }
0x14: {  	s2 =	sld [smem:$0x3F98];
	s0 =	simm.s32 @p1 $0x1  }
0x15: {  	[smem:$0x3FB5] =	sst s0;
	s0 =	simm.s32 @!p2 $0x0  }
0x16: {  	s3 =	sld [smem:$0x3FDB];
	s0 =	simm.s32 @p2 $0x1  }
0x17: {  	s4 =	simm.s32 $0x1BF5;
	[smem:$0x3FB7] =	sst s0  }
0x18: {  	s0 =	sld [smem:$0x3F9A];
	_ =	swait.ge [sflag:s4], $0x0  }
0x19: {  	s7 =	sld [smem:$0x3F9B]  }
0x1a: {  	s8 =	sadd.s32 $0xFFFFE003, lr  }
0x1b: {  	s9 =	sadd.s32 $0xFFFFFEF7, lr;
	s5 =	simm.s32 $0xFFFFFFFF;
	p2 =	slt.u32 s8, $0xFFFFF086  }
0x1c: {  	p1 =	slt.u32 s9, $0xF7A;
	s5 =	simm.s32 @!p2 $0x0  }
0x1d: {  	s5 =	simm.s32 @p1 $0x1;
	p0 =	seq.s32 s7, s2  }
0x1e: {  	s7 =	smul.u32 @!p0 $0xF7A, s2;
	p2 =	seq.s32 @!p0 s5, $0x0  }
0x1f: {  	s9 =	smul.u32 $0xF7A, s1;
	s8 =	simm.s32 @!p0 $0x1BF5;
	p2 =	por !p2, p0  }
0x20: {  	[sflag:s8] =	ssyncset.s32 @!p0 $0xFFFFF086;
	s6 =	sadd.s32 @!p0 s3, s7;
	s7 =	simm.s32 @!p0 $0x108  }
0x21: {  	s3 =	sadd.s32 s3, s9;
	s6 =	sadd.s32 @!p0 $0x88, s6;
	s7 =	simm.s32 @p2 $0x1082  }
0x22: {  	[simem:s7], [sflag:s8] =	dma.local @!p0 [hbm:s6], $0xF7A  }
0x23: {  	s9 =	sor.u32 $0xD0000000, s2;
	s6 =	simm.s32 $0x108;
	_ =	swait.ge @!p0 [sflag:s8], $0x0  }
0x24: {  	s3 =	sadd.s32 $0x88, s3;
	s6 =	simm.s32 @!p1 $0x1082;
	[sflag:s4] =	ssyncset.s32 $0xFFFFF086  }
0x25: {  	[simem:s6], [sflag:s4] =	dma.local [hbm:s3], $0xF7A  }
0x26: {  	[smem:$0x3F9B] =	sst s1;
	(tag) =	ssettag s2;
	_ =	strace s9  }
0x27: {  	s1 =	sld [smem:$0x3FAB]  }
0x28: {  	s2 =	sld [smem:$0x3FAC]  }
0x29: {  	s4 =	sld [smem:$0x3FAE]  }
0x2a: {  	p0 =	seq.s32 s5, $0x0;
	s5 =	sld [smem:$0x3FAF]  }
0x2b: {  	s6 =	sld [smem:$0x3FB0]  }
0x2c: {  	s7 =	sld [smem:$0x3FB1]  }
0x2d: {  	s3 =	simm.s32 $0x108;
	s8 =	sld [smem:$0x3FB2]  }
0x2e: {  	s3 =	simm.s32 @!p0 $0x1082;
	s9 =	sld [smem:$0x3FB3]  }
0x2f: {  	lr =	sadd.s32 s0, s3;
	s0 =	sld [smem:$0x3FAA]  }
0x30: {  	s3 =	sld [smem:$0x3FAD]  }
0x31: {  	[smem:$0x3FB6] =	sst s10  }
0x32: {  	s10 =	sld [smem:$0x3FB4];
	_ =	sdelay $0x3  }
0x33: {  	p0 =	seq.s32 s10, $0x1;
	s10 =	sld [smem:$0x3FB6];
	_ =	sdelay $0x3  }
0x34: {  	[smem:$0x3FB6] =	sst s10  }
0x35: {  	s10 =	sld [smem:$0x3FB5];
	_ =	sdelay $0x3  }
0x36: {  	p1 =	seq.s32 s10, $0x1;
	s10 =	sld [smem:$0x3FB6];
	_ =	sdelay $0x3  }
0x37: {  	[smem:$0x3FB6] =	sst s10  }
0x38: {  	s10 =	sld [smem:$0x3FB7]  }
0x39: {  	_ = 	snop;
	(pc) =	sbr.ind lr, $3  }
0x3a: {  	_ = 	snop  }
0x3b: {  	_ = 	snop  }
0x3c: {  	p2 =	seq.s32 s10, $0x1;
	s10 =	sld [smem:$0x3FB6]  }
0x3d: {  	_ =	shalt  }
0x3e: {  	_ =	shalt  }
0x3f: {  	_ =	shalt  }
0x40: {  	_ =	shalt  }
0x41: {  	_ =	shalt  }
0x42: {  	_ =	shalt  }
0x43: {  	_ =	shalt  }
0x44: {  	_ =	shalt  }
0x45: {  	_ =	shalt  }
0x46: {  	_ =	shalt  }
0x47: {  	_ =	shalt  }
0x48: {  	_ =	shalt  }
0x49: {  	_ =	shalt  }
0x4a: {  	_ =	shalt  }
0x4b: {  	_ =	shalt  }
0x4c: {  	_ =	shalt  }
0x4d: {  	_ =	shalt  }
0x4e: {  	_ =	shalt  }
0x4f: {  	_ =	shalt  }
0x50: {  	_ =	shalt  }
0x51: {  	_ =	shalt  }
0x52: {  	_ =	shalt  }
0x53: {  	_ =	shalt  }
0x54: {  	_ =	shalt  }
0x55: {  	_ =	shalt  }
0x56: {  	_ =	shalt  }
0x57: {  	_ =	shalt  }
0x58: {  	_ =	shalt  }
0x59: {  	_ =	shalt  }
0x5a: {  	_ =	shalt  }
0x5b: {  	_ =	shalt  }
0x5c: {  	_ =	shalt  }
0x5d: {  	_ =	shalt  }
0x5e: {  	_ =	shalt  }
0x5f: {  	_ =	shalt  }
0x60: {  	_ =	shalt  }
0x61: {  	_ =	shalt  }
0x62: {  	_ =	shalt  }
0x63: {  	_ =	shalt  }
0x64: {  	_ =	shalt  }
0x65: {  	_ =	shalt  }
0x66: {  	_ =	shalt  }
0x67: {  	_ =	shalt  }
0x68: {  	_ =	shalt  }
0x69: {  	_ =	shalt  }
0x6a: {  	_ =	shalt  }
0x6b: {  	_ =	shalt  }
0x6c: {  	_ =	shalt  }
0x6d: {  	_ =	shalt  }
0x6e: {  	_ =	shalt  }
0x6f: {  	_ =	shalt  }
0x70: {  	_ =	shalt  }
0x71: {  	_ =	shalt  }
0x72: {  	_ =	shalt  }
0x73: {  	_ =	shalt  }
0x74: {  	_ =	shalt  }
0x75: {  	_ =	shalt  }
0x76: {  	_ =	shalt  }
0x77: {  	_ =	shalt  }
0x78: {  	_ =	shalt  }
0x79: {  	_ =	shalt  }
0x7a: {  	_ =	shalt  }
0x7b: {  	_ =	shalt  }
0x7c: {  	_ =	shalt  }
0x7d: {  	_ =	shalt  }
0x7e: {  	_ =	shalt  }
0x7f: {  	_ =	shalt  }
0x80: {  	_ =	shalt  }
0x81: {  	_ =	shalt  }
0x82: {  	_ =	shalt  }
0x83: {  	_ =	shalt  }
0x84: {  	_ =	shalt  }
0x85: {  	_ =	shalt  }
0x86: {  	_ =	shalt  }
0x87: {  	_ =	shalt  }
.Lfunc_end0:
.L_simem_size_0:
called_computation.1_lowered:
.L_overlay_start_0:
0x88: {  	s2 =	sld [smem:$0x3FD9]  }
0x89: {  	s3 =	sld [smem:$0x3FFE];
	_ =	sdelay $0x1  }
0x8a: {  	s1 =	srdreg.scid  }
0x8b: {  	s0 =	sand.u32 $0x1, s1  }
0x8c: {  	s17 =	sshll.u32 s0, $0xA;
	s2 =	sadd.s32 s3, s2  }
0x8d: {  	s2 =	sadd.s32 s2, s17  }
0x8e: {  	[smem:$0x3FC2] =	sst s2  }
0x8f: {  	_ = 	snop  }
0x90: {  	s2 =	sld [smem:$0x3FD0];
	(tm) =	ssettm $0x1  }
0x91: {  	s18 =	sld [smem:$0x3FFB];
	_ =	sdelay $0x3  }
0x92: {  	_ =	strace s18  }
0x93: {  	s3 =	sld [smem:$0x3FFC];
	_ =	sdelay $0x3  }
0x94: {  	_ =	strace s3  }
0x95: {  	s3 =	sld [smem:$0x3FFD];
	_ =	sdelay $0x3  }
0x96: {  	_ =	strace s3  }
0x97: {  	_ =	strace $0x8FFFFFFF  }
0x98: {  	s19 =	sld [smem:$0x3FDB];
	_ =	sdelay $0x1  }
0x99: {  	s4 =	simm.s32 $_scs_section_size  }
0x9a: {  	s5 =	simm.s32 $_size__tile_overlayer_lowered;
	s6 =	simm.s32 $_tile_overlayer_lowered  }
0x9b: {  	s22 =	simm.s32 $0x1BFF;
	s21 =	sshll.u32 s6, $0x1;
	s3 =	sadd.s32 s4, s19  }
0x9c: {  	s7 =	simm.s32 $0x0;
	s20 =	sshll.u32 s5, $0x1;
	s5 =	sadd.s32 s21, s3  }
0x9d: {  	[timem:s7], [sflag:s22] =	dma.local [hbm:s5], s20  }
0x9e: {  	_ =	swait.ge [sflag:s22], s20  }
0x9f: {  	s4 =	ssub.s32 $0x0, s20;
	[sflag:s22] =	ssyncset.done $0x0  }
0xa0: {  	[sflag:s22] =	ssyncadd.s32 s4;
	_ =	sdelay $0x1  }
0xa1: {  	s23 =	simm.s32 $0x1B8B  }
0xa2: {  	_ =	swait.ge [sflag:s23], $0x1  }
0xa3: {  	[sflag:s23] =	ssyncset.done $0x0  }
0xa4: {  	s25 =	simm.s32 $0x1B8E;
	s24 =	sld [smem:$0x3FFE];
	[sflag:s23] =	ssyncadd.s32 $0xFFFFFFFF  }
0xa5: {  	s26 =	simm.s32 $execute0_lowered;
	[smem:$0x3FD2] =	sst s25  }
0xa6: {  	s5 =	sshll.u32 s26, $0x1;
	_ =	strace $0x80000049;
	[dreg:$0x1] =	wrdreg $0xFFFFFFFF  }
0xa7: {  	s28 =	simm.s32 $_size_execute0_lowered;
	s3 =	sadd.s32 s3, s5;
	[dreg:$0x0] =	wrdreg $0x0  }
0xa8: {  	s5 =	sshll.u32 s28, $0x1;
	[dreg:$0x2] =	wrdreg s3  }
0xa9: {  	[dreg:$0x3] =	wrdreg s5  }
0xaa: {  	[dreg:$0x4] =	wrdreg $0xC0  }
0xab: {  	_ =	task [dreg:s7], $0x5FFFF  }
0xac: {  	[dreg:$0x1] =	wrdreg $0xFFFFFFFF  }
0xad: {  	[dreg:$0x0] =	wrdreg $0x60  }
0xae: {  	[dreg:$0x2] =	wrdreg s24  }
0xaf: {  	[dreg:$0x3] =	wrdreg s2  }
0xb0: {  	[dreg:$0x4] =	wrdreg $0x9A800  }
0xb1: {  	[dreg:$0x5] =	wrdreg $0x9D000  }
0xb2: {  	[dreg:$0x6] =	wrdreg $0xA2000  }
0xb3: {  	[dreg:$0x7] =	wrdreg $0x9F800  }
0xb4: {  	[dreg:$0x8] =	wrdreg $0x9  }
0xb5: {  	_ =	task.clear_ibuf [dreg:s7], $0x9FFFF;
	_ =	strace $0x90000049  }
0xb6: {  	s29 =	simm.s32 $0x9;
	_ =	strace $0x8000004B  }
0xb7: {  	_ =	swait.ge [sflag:s29], $0x1  }
0xb8: {  	[sflag:s29] =	ssyncadd.s32 $0xFFFFFFFF  }
0xb9: {  	_ =	strace $0x9000004B  }
0xba: {  	_ =	sfence  }
0xbb: {  	s30 =	sld [smem:$0x0];
	_ =	sdelay $0x2  }
0xbc: {  	s31 =	sshll.u32 s1, $0xD;
	s1 =	sshrl.u32 s1, $0x2  }
0xbd: {  	s3 =	sand.u32 $0x4000, s31;
	s1 =	sadd.s32 s1, s30  }
0xbe: {  	s0 =	sor.u32 s3, s0;
	s1 =	sshll.u32 s1, $0x11  }
0xbf: {  	s0 =	sor.u32 s1, s0  }
0xc0: {  	s0 =	sadd.s32 $0x8F2B, s0  }
0xc1: {  	[sflag:s0] =	ssyncadd.remote.s32 $0x1  }
0xc2: {  	_ =	sfence.sel $0xFFFF  }
0xc3: {  	[dreg:$0x0] =	wrdreg $0xFFFFFFFF;
	(pc) =	sbr.abs _section_cstart, $3  }
0xc4: {  	[dreg:$0x1] =	wrdreg $0xFFFFFFFF  }
0xc5: {  	_ =	task.clear_ibuf [dreg:s7], $0x2FFFF;
	_ =	strace $0x9FFFFFFF  }
0xc6: {  	(tm) =	ssettm $0x7FFFFFFF  }
0xc7: {  	_ =	shalt  }
tec
execute0_lowered:
.L_overlay_start_1:
0x0: {  	(tag) =	ssettag $0x1  }
0x1: {  	s0 =	rddreg [dreg:$0x0];
	s5 =	srdreg.scid  }
0x2: {  	s1 =	rddreg [dreg:$0x1];
	s5 =	sand.u32 $0x1, s5  }
0x3: {  	s2 =	rddreg [dreg:$0x2];
	p0 =	seq.s32 s5, $0x1  }
.Ltmp0:
0x4: {  	s7 =	rddreg [dreg:$0x3];
	(pc) =	sbr.rel @p0 .LBB2_16-.Ltmp0, $4  }
0x5: {  	s14 =	rddreg [dreg:$0x4]  }
0x6: {  	s3 =	rddreg [dreg:$0x5];
	s4 =	simm.s32 $0x0  }
0x7: {  	[smem:$0x7FF] =	sst s4  }
0x8: {  	s6 =	rddreg [dreg:$0x6];
	s20 =	stileid.u32;
	_ =	strace $0x8000004A  }
0x9: {  	s8 =	smul.u32 $0x500, s20  }
0xa: {  	s5 =	sadd.s32 $0x43400, s0  }
0xb: {  	s13 =	simm.s32 $0x1;
	s5 =	sadd.s32 s5, s8  }
0xc: {  	[tilespmem:s4], [sflag:$0x1] =	stream.linear.gather [hbm4b:s5+s4], $0x2800, $0x38;
	[tilespmem:$0xA210] =	vst v63  }
0xd: {  	_ =	swait.ge [sflag:s13], $0x2800  }
0xe: {  	s25 =	sadd.s32 $0x70400, s0;
	[sflag:s13] =	ssyncset.done $0x0  }
0xf: {  	s15 =	smul.u32 $0x280, s20;
	s6 =	simm.s32 $0x9880;
	[sflag:s13] =	ssyncadd.s32 $0xFFFFD800  }
0x10: {  	[tilespmem:s6], [sflag:$0x1] =	stream.linear.gather [hbm4b:s25+s4], $0x80, $0x38;
	[tilespmem:$0xA210] =	vst v63  }
0x11: {  	_ =	swait.ge [sflag:s13], $0x80  }
0x12: {  	s11 =	simm.s32 $0x9000;
	s26 =	sshrl.u32 s15, $0x3;
	[sflag:s13] =	ssyncset.done $0x0  }
0x13: {  	s9 =	sadd.s32 $0x7200, s0;
	s1 =	sadd.s32 s1, s26;
	[sflag:s13] =	ssyncadd.s32 $0xFFFFFF80  }
0x14: {  	[tilespmem:s11], [sflag:$0x1] =	stream.linear.gather [hbm4b:s1+s4], $0x280, $0x38;
	[tilespmem:$0xA210] =	vst v63  }
0x15: {  	s10 =	sadd.s32 $0x48400, s0;
	s30 =	sshll.u32 s20, $0x4;
	_ =	swait.ge [sflag:s13], $0x280  }
0x16: {  	s12 =	smul.u32 $0xA0, s20;
	s28 =	sadd.s32 s15, s2;
	[sflag:s13] =	ssyncset.done $0x0  }
0x17: {  	s29 =	sadd.s32 s8, s0;
	s31 =	sadd.s32 s15, s3;
	[sflag:s13] =	ssyncadd.s32 $0xFFFFFD80  }
0x18: {  	[spmem:s28] =	stream.linear.scatter [tilespmem:s11], [sflag:$0x1], $0x280, $0x38;
	[tilespmem:$0xA210] =	vst v63  }
0x19: {  	s5 =	sadd.s32 $0x2F200, s0;
	s6 =	sadd.s32 $0x39200, s0;
	_ =	swait.ge [sflag:s13], $0x280  }
0x1a: {  	s0 =	sadd.s32 s30, s14;
	s1 =	simm.s32 $0x0;
	[sflag:s13] =	ssyncset.done $0x0  }
0x1b: {  	s4 =	sadd.s32 $0x2200, s29;
	[dreg:$0x8] =	wrdreg s31;
	[sflag:s13] =	ssyncadd.s32 $0xFFFFFD80  }
0x1c: {  	s11 =	sadd.s32 s15, s7;
	[dreg:$0x7] =	wrdreg s4;
	s4 =	simm.s32 $0x40;
	v0 =	vld [tilespmem:s1+$0x9000]  }
.LBB2_2:
0x1d: {  	p0 =	sne.s32 s4, $0x9C0  }
.Ltmp1:
0x1e: {  	_ = 	snop;
	(pc) =	sbr.rel @p0 .LBB2_2-.Ltmp1, $3  }
0x1f: {  	_ =	sdelay $0x1  }
0x20: {  	[tilespmem:s1+$0x9280] =	vst v0;
	s1 =	sshra.s32 s4, $0x2;
	s4 =	sadd.s32 $0x40, s4  }
0x21: {  	v0 =	vld [tilespmem:s1+$0x9000]  }
0x22: {  	_ =	sdelay $0x3  }
0x23: {  	[tilespmem:s1+$0x9280] =	vst v0;
	v0 =	vimm.f32 $0.0e+00  }
0x24: {  	[tilespmem:$0x9000] =	vst v0  }
0x25: {  	[tilespmem:$0x9010] =	vst v0  }
0x26: {  	[tilespmem:$0x9020] =	vst v0  }
0x27: {  	[tilespmem:$0x9030] =	vst v0  }
0x28: {  	[tilespmem:$0x9040] =	vst v0  }
0x29: {  	[tilespmem:$0x9050] =	vst v0  }
0x2a: {  	[tilespmem:$0x9060] =	vst v0  }
0x2b: {  	[tilespmem:$0x9070] =	vst v0  }
0x2c: {  	[tilespmem:$0x9080] =	vst v0  }
0x2d: {  	[tilespmem:$0x9090] =	vst v0  }
0x2e: {  	[tilespmem:$0x90A0] =	vst v0  }
0x2f: {  	[tilespmem:$0x90B0] =	vst v0  }
0x30: {  	[tilespmem:$0x90C0] =	vst v0  }
0x31: {  	[tilespmem:$0x90D0] =	vst v0  }
0x32: {  	[tilespmem:$0x90E0] =	vst v0  }
0x33: {  	[tilespmem:$0x90F0] =	vst v0  }
0x34: {  	[tilespmem:$0x9100] =	vst v0  }
0x35: {  	[tilespmem:$0x9110] =	vst v0  }
0x36: {  	[tilespmem:$0x9120] =	vst v0  }
0x37: {  	[tilespmem:$0x9130] =	vst v0  }
0x38: {  	[tilespmem:$0x9140] =	vst v0  }
0x39: {  	[tilespmem:$0x9150] =	vst v0  }
0x3a: {  	[tilespmem:$0x9160] =	vst v0  }
0x3b: {  	[tilespmem:$0x9170] =	vst v0  }
0x3c: {  	[tilespmem:$0x9180] =	vst v0  }
0x3d: {  	[tilespmem:$0x9190] =	vst v0  }
0x3e: {  	[tilespmem:$0x91A0] =	vst v0  }
0x3f: {  	[tilespmem:$0x91B0] =	vst v0  }
0x40: {  	[tilespmem:$0x91C0] =	vst v0  }
0x41: {  	[tilespmem:$0x91D0] =	vst v0  }
0x42: {  	[tilespmem:$0x91E0] =	vst v0  }
0x43: {  	[tilespmem:$0x91F0] =	vst v0  }
0x44: {  	[tilespmem:$0x9200] =	vst v0  }
0x45: {  	[tilespmem:$0x9210] =	vst v0  }
0x46: {  	[tilespmem:$0x9220] =	vst v0  }
0x47: {  	[tilespmem:$0x9230] =	vst v0  }
0x48: {  	[tilespmem:$0x9240] =	vst v0  }
0x49: {  	[tilespmem:$0x9250] =	vst v0  }
0x4a: {  	[tilespmem:$0x9260] =	vst v0  }
0x4b: {  	s30 =	simm.s32 $0x9000;
	s31 =	simm.s32 $0x1;
	[tilespmem:$0x9270] =	vst v0  }
0x4c: {  	[spmem:s11] =	stream.linear.scatter [tilespmem:s30], [sflag:$0x1], $0x280, $0x38;
	[tilespmem:$0xA210] =	vst v63  }
0x4d: {  	_ =	swait.ge [sflag:s31], $0x280  }
0x4e: {  	[sflag:s31] =	ssyncset.done $0x0  }
0x4f: {  	s4 =	simm.s32 $0x0;
	[sflag:s31] =	ssyncadd.s32 $0xFFFFFD80  }
0x50: {  	s1 =	simm.s32 $0x40;
	v1 =	vld [tilespmem:s4+$0x0]  }
.LBB2_4:
0x51: {  	p0 =	sne.s32 s1, $0x9FC0  }
.Ltmp2:
0x52: {  	_ = 	snop;
	(pc) =	sbr.rel @p0 .LBB2_4-.Ltmp2, $3  }
0x53: {  	_ =	sdelay $0x1  }
0x54: {  	s4 =	sshra.s32 s1, $0x2;
	s1 =	sadd.s32 $0x40, s1;
	v0 =	vadd.f32 v1, v0  }
0x55: {  	v1 =	vld [tilespmem:s4+$0x0]  }
0x56: {  	_ =	sdelay $0x3  }
0x57: {  	v0 =	vadd.f32 v1, v0;
	_ =	sdelay $0x1  }
0x58: {  	s1 =	simm.s32 $0x9900;
	s13 =	simm.s32 $0x1;
	[tilespmem:$0x9900] =	vst v0  }
0x59: {  	[spmem:s0] =	stream.linear.scatter [tilespmem:s1], [sflag:$0x1], $0x10, $0x38;
	[tilespmem:$0xA210] =	vst v63  }
0x5a: {  	_ =	swait.ge [sflag:s13], $0x10  }
0x5b: {  	[sflag:s13] =	ssyncset.done $0x0  }
0x5c: {  	[sflag:s13] =	ssyncadd.s32 $0xFFFFFFF0  }
0x5d: {  	s31 =	simm.s32 $0x9980;
	[bflag:$0x0] =	sbarrier.arrive $0xFFFF  }
0x5e: {  	[tilespmem:s31], [sflag:$0x1] =	stream.linear.gather [spmem:s14], $0x100, $0x38;
	[tilespmem:$0xA210] =	vst v63  }
0x5f: {  	_ =	swait.ge [sflag:s13], $0x100  }
0x60: {  	[sflag:s13] =	ssyncset.done $0x0  }
0x61: {  	[sflag:s13] =	ssyncadd.s32 $0xFFFFFF00  }
0x62: {  	v0 =	vld [tilespmem:$0x9980];
	_ =	sdelay $0x1  }
0x63: {  	v1 =	vld [tilespmem:$0x9990];
	_ =	sdelay $0x1  }
0x64: {  	v2 =	vld [tilespmem:$0x99A0]  }
0x65: {  	v0 =	vadd.f32 $0.0e+00, v0  }
0x66: {  	v3 =	vld [tilespmem:$0x99B0]  }
0x67: {  	v0 =	vadd.f32 v1, v0  }
0x68: {  	v1 =	vld [tilespmem:$0x99C0]  }
0x69: {  	v0 =	vadd.f32 v2, v0  }
0x6a: {  	v2 =	vld [tilespmem:$0x99D0]  }
0x6b: {  	v0 =	vadd.f32 v3, v0  }
0x6c: {  	v3 =	vld [tilespmem:$0x99E0]  }
0x6d: {  	v0 =	vadd.f32 v1, v0  }
0x6e: {  	v1 =	vld [tilespmem:$0x99F0]  }
0x6f: {  	v0 =	vadd.f32 v2, v0  }
0x70: {  	v2 =	vld [tilespmem:$0x9A00]  }
0x71: {  	v0 =	vadd.f32 v3, v0  }
0x72: {  	v3 =	vld [tilespmem:$0x9A10]  }
0x73: {  	v0 =	vadd.f32 v1, v0  }
0x74: {  	v1 =	vld [tilespmem:$0x9A20]  }
0x75: {  	v0 =	vadd.f32 v2, v0  }
0x76: {  	v2 =	vld [tilespmem:$0x9A30]  }
0x77: {  	v0 =	vadd.f32 v3, v0  }
0x78: {  	v3 =	vld [tilespmem:$0x9A40]  }
0x79: {  	v0 =	vadd.f32 v1, v0  }
0x7a: {  	v1 =	vld [tilespmem:$0x9A50]  }
0x7b: {  	v0 =	vadd.f32 v2, v0  }
0x7c: {  	v2 =	vld [tilespmem:$0x9A60]  }
0x7d: {  	v0 =	vadd.f32 v3, v0  }
0x7e: {  	v4 =	vimm.s32 $0xFEDCBA98;
	v3 =	vld [tilespmem:$0x9A70]  }
0x7f: {  	v4 =	vunpack.c.l.s4.s8 v4;
	v0 =	vadd.f32 v1, v0;
	v1 =	vimm.s32 $0x76543210  }
0x80: {  	v1 =	vunpack.c.l.s4.s8 v1  }
0x81: {  	v0 =	vadd.f32 v2, v0;
	v2 =	vunpack.c.0.s8.s32 v4  }
0x82: {  	v1 =	vunpack.c.0.s8.s32 v1  }
0x83: {  	v0 =	vadd.f32 v3, v0;
	v2 =	vand.u32 $0xF, v2  }
0x84: {  	v3 =	vimm.s32 $0x32107654;
	v2 =	vcombine.low v2, v1;
	v1 =	vimm.s32 $0xBA98FEDC  }
0x85: {  	v3 =	vunpack.c.l.s4.s8 v3;
	v1 =	vunpack.c.l.s4.s8 v1  }
0x86: {  	v4 =	vperm.xlane v0, v2  }
0x87: {  	v3 =	vunpack.c.0.s8.s32 v3;
	v1 =	vunpack.c.0.s8.s32 v1  }
0x88: {  	v0 =	vadd.f32 v4, v0  }
0x89: {  	v4 =	vimm.s32 $0x54761032;
	v3 =	vcombine.low v3, v1;
	v1 =	vimm.s32 $0xDCFE98BA  }
0x8a: {  	v4 =	vunpack.c.l.s4.s8 v4;
	v1 =	vunpack.c.l.s4.s8 v1  }
0x8b: {  	v5 =	vperm.xlane v0, v3  }
0x8c: {  	v4 =	vunpack.c.0.s8.s32 v4;
	v1 =	vunpack.c.0.s8.s32 v1  }
0x8d: {  	v6 =	vimm.s32 $0x67452301;
	v0 =	vadd.f32 v5, v0;
	v5 =	vimm.s32 $0xEFCDAB89  }
0x8e: {  	v4 =	vcombine.low v4, v1;
	v1 =	vunpack.c.l.s4.s8 v5;
	v5 =	vunpack.c.l.s4.s8 v6;
	_ =	sdelay $0x1  }
0x8f: {  	v6 =	vperm.xlane v0, v4;
	v1 =	vunpack.c.0.s8.s32 v1;
	v5 =	vunpack.c.0.s8.s32 v5  }
0x90: {  	s15 =	simm.s32 $0x9780;
	s16 =	simm.s32 $0x9800  }
0x91: {  	s17 =	simm.s32 $0x40;
	s18 =	simm.s32 $0x5000;
	s19 =	simm.s32 $0x7000;
	v0 =	vadd.f32 v6, v0;
	v5 =	vcombine.low v5, v1  }
0x92: {  	s20 =	simm.s32 $0x9500;
	s21 =	simm.s32 $0x9580;
	s22 =	simm.s32 $0x9680  }
0x93: {  	s23 =	simm.s32 $0x9700;
	s24 =	simm.s32 $0x0;
	s14 =	simm.s32 $0x0;
	v6 =	vlaneseq.u32;
	v1 =	vperm.xlane v0, v5  }
.LBB2_6:
0x94: {  	s0 =	sadd.s32 s12, s24  }
0x95: {  	s1 =	sshll.u32 s24, $0x4;
	s0 =	sshll.u32 s0, $0x4  }
0x96: {  	s1 =	sand.u32 $0x70, s1;
	s0 =	sand.u32 $0x1FF80, s0  }
0x97: {  	s0 =	sor.u32 s1, s0  }
0x98: {  	s1 =	sadd.s32 s5, s0  }
0x99: {  	[tilespmem:s15], [sflag:$0x1] =	stream.linear.gather [hbm4b:s1+s14], $0x80, $0x38;
	[tilespmem:$0xA210] =	vst v63  }
0x9a: {  	_ =	swait.ge [sflag:s13], $0x80  }
0x9b: {  	[sflag:s13] =	ssyncset.done $0x0  }
0x9c: {  	s0 =	sadd.s32 s6, s0;
	[sflag:s13] =	ssyncadd.s32 $0xFFFFFF80  }
0x9d: {  	[tilespmem:s16], [sflag:$0x1] =	stream.linear.gather [hbm4b:s0+s14], $0x80, $0x38;
	[tilespmem:$0xA210] =	vst v63  }
0x9e: {  	_ =	swait.ge [sflag:s13], $0x80  }
0x9f: {  	[sflag:s13] =	ssyncset.done $0x0  }
0xa0: {  	[sflag:s13] =	ssyncadd.s32 $0xFFFFFF80  }
0xa1: {  	[tilespmem:s18], [sflag:$0x1] =	stream.indirect.gather [hbm4b:s9+s17], $0x80, s15, s17, $0xb8;
	[tilespmem:$0xA210] =	vst v63  }
0xa2: {  	_ =	swait.ge [sflag:s13], $0x2000  }
0xa3: {  	[sflag:s13] =	ssyncset.done $0x0  }
0xa4: {  	[sflag:s13] =	ssyncadd.s32 $0xFFFFE000  }
0xa5: {  	[tilespmem:s19], [sflag:$0x1] =	stream.indirect.gather [hbm4b:s10+s17], $0x80, s16, s17, $0xb8;
	[tilespmem:$0xA210] =	vst v63  }
0xa6: {  	_ =	swait.ge [sflag:s13], $0x2000  }
0xa7: {  	[sflag:s13] =	ssyncset.done $0x0  }
0xa8: {  	[sflag:s13] =	ssyncadd.s32 $0xFFFFE000  }
0xa9: {  	[tilespmem:s20], [sflag:$0x1] =	stream.indirect.gather [spmem:s2], $0x1, s15, s17, $0xb8;
	[tilespmem:$0xA210] =	vst v63  }
0xaa: {  	_ =	swait.ge [sflag:s13], $0x40  }
0xab: {  	[sflag:s13] =	ssyncset.done $0x0  }
0xac: {  	[sflag:s13] =	ssyncadd.s32 $0xFFFFFFC0  }
0xad: {  	[tilespmem:s21], [sflag:$0x1] =	stream.indirect.gather [spmem:s2], $0x1, s16, s17, $0xb8;
	[tilespmem:$0xA210] =	vst v63  }
0xae: {  	_ =	swait.ge [sflag:s13], $0x40  }
0xaf: {  	s31 =	sshll.u32 s24, $0x6;
	s25 =	simm.s32 $0x5020;
	[sflag:s13] =	ssyncset.done $0x0  }
0xb0: {  	s26 =	simm.s32 $0x7020;
	s28 =	simm.s32 $0x0;
	v7 =	vmov s31;
	[sflag:s13] =	ssyncadd.s32 $0xFFFFFFC0  }
.LBB2_7:
0xb1: {  	v8 =	vld [tilespmem:s25+$0xFFFFFFE0]  }
0xb2: {  	v9 =	vld [tilespmem:s26+$0xFFFFFFE0]  }
0xb3: {  	v10 =	vld [tilespmem:s25+$0xFFFFFFF0]  }
0xb4: {  	v11 =	vld [tilespmem:s26+$0xFFFFFFF0]  }
0xb5: {  	v12 =	vld [tilespmem:s25+$0x0]  }
0xb6: {  	v13 =	vld [tilespmem:s26+$0x0]  }
0xb7: {  	v14 =	vld [tilespmem:s25+$0x10]  }
0xb8: {  	v15 =	vld [tilespmem:s26+$0x10];
	s1 =	sadd.s32 $0x80, s26;
	v8 =	vmul.f32 v9, v8  }
0xb9: {  	v16 =	vld [tilespmem:s1+$0xFFFFFFE0]  }
0xba: {  	s0 =	sadd.s32 $0x80, s25;
	v17 =	vld [tilespmem:s1+$0xFFFFFFF0];
	v10 =	vmul.f32 v11, v10;
	v8 =	vadd.f32 $0.0e+00, v8  }
0xbb: {  	v9 =	vld [tilespmem:s0+$0xFFFFFFE0]  }
0xbc: {  	v11 =	vld [tilespmem:s0+$0xFFFFFFF0];
	v8 =	vadd.f32 v10, v8;
	v10 =	vmul.f32 v13, v12  }
0xbd: {  	v12 =	vld [tilespmem:s0+$0x0]  }
0xbe: {  	v13 =	vld [tilespmem:s1+$0x0];
	v8 =	vadd.f32 v10, v8;
	v10 =	vmul.f32 v15, v14  }
0xbf: {  	v14 =	vld [tilespmem:s0+$0x10]  }
0xc0: {  	v9 =	vmul.f32 v16, v9;
	v15 =	vld [tilespmem:s1+$0x10];
	s1 =	sadd.s32 $0x80, s1;
	v8 =	vadd.f32 v10, v8  }
0xc1: {  	s0 =	sadd.s32 $0x80, s0;
	v16 =	vld [tilespmem:s1+$0xFFFFFFE0]  }
0xc2: {  	v11 =	vmul.f32 v17, v11;
	v9 =	vadd.f32 $0.0e+00, v9;
	v10 =	vld [tilespmem:s0+$0xFFFFFFE0];
	v17 =	vperm.xlane v8, v2  }
0xc3: {  	v18 =	vld [tilespmem:s0+$0xFFFFFFF0]  }
0xc4: {  	v19 =	vld [tilespmem:s1+$0xFFFFFFF0];
	v9 =	vadd.f32 v11, v9;
	v11 =	vmul.f32 v13, v12;
	v8 =	vadd.f32 v8, v17  }
0xc5: {  	v20 =	vld [tilespmem:s0+$0x0]  }
0xc6: {  	v21 =	vld [tilespmem:s1+$0x0];
	v9 =	vadd.f32 v11, v9;
	v11 =	vmul.f32 v15, v14;
	v13 =	vperm.xlane v8, v3  }
0xc7: {  	v12 =	vld [tilespmem:s1+$0x10];
	v14 =	vmul.f32 v16, v10  }
0xc8: {  	s8 =	sadd.s32 $0x80, s1;
	v10 =	vld [tilespmem:s0+$0x10];
	v11 =	vadd.f32 v11, v9;
	v9 =	vadd.f32 v8, v13  }
0xc9: {  	s4 =	sadd.s32 $0x80, s0;
	v18 =	vmul.f32 v19, v18;
	v17 =	vld [tilespmem:s8+$0xFFFFFFE0];
	v22 =	vadd.f32 $0.0e+00, v14  }
0xca: {  	s30 =	simm.s32 $0x1;
	s31 =	simm.s32 $0x2;
	v16 =	vperm.xlane v11, v2;
	v13 =	vld [tilespmem:s4+$0xFFFFFFE0];
	v14 =	vperm.xlane v9, v4  }
0xcb: {  	s29 =	simm.s32 $0x3;
	s1 =	simm.s32 $0x4;
	v15 =	vld [tilespmem:s4+$0xFFFFFFF0];
	v19 =	vmul.f32 v21, v20;
	s0 =	simm.s32 $0x0;
	v8 =	vimm.f32 $0.0e+00;
	v18 =	vadd.f32 v18, v22  }
.LBB2_8:
0xcc: {  	p0 =	sne.s32 s1, $0xF;
	v20 =	vld [tilespmem:s8+$0xFFFFFFF0];
	v16 =	vadd.f32 v11, v16;
	v14 =	vadd.f32 v9, v14  }
0xcd: {  	v21 =	vld [tilespmem:s4+$0x0];
	v9 =	vadd.f32 v19, v18;
	v11 =	vmul.f32 v12, v10  }
0xce: {  	v19 =	vld [tilespmem:s8+$0x0];
	v18 =	vperm.xlane v16, v3;
	v22 =	vperm.xlane v14, v5  }
.Ltmp3:
0xcf: {  	v17 =	vmul.f32 v17, v13;
	v10 =	vld [tilespmem:s4+$0x10];
	v11 =	vadd.f32 v11, v9;
	(pc) =	sbr.rel @p0 .LBB2_8-.Ltmp3, $4  }
0xd0: {  	s4 =	sadd.s32 $0x80, s4;
	v12 =	vld [tilespmem:s8+$0x10];
	v9 =	vadd.f32 v16, v18;
	v18 =	vadd.f32 v14, v22;
	v14 =	vmov s0;
	s0 =	smov.u32 s30;
	s30 =	smov.u32 s31  }
0xd1: {  	s8 =	sadd.s32 $0x80, s8;
	s31 =	smov.u32 s29;
	s29 =	smov.u32 s1;
	v13 =	vld [tilespmem:s4+$0xFFFFFFE0];
	v22 =	vadd.f32 $0.0e+00, v17;
	v20 =	vmul.f32 v20, v15;
	vm0 =	veq.s32 v14, v6  }
0xd2: {  	v16 =	vperm.xlane v11, v2;
	v17 =	vld [tilespmem:s8+$0xFFFFFFE0];
	v14 =	vperm.xlane v9, v4;
	v8 =	vsel vm0, v18, v8  }
0xd3: {  	s1 =	sadd.s32 $0x1, s1;
	v15 =	vld [tilespmem:s4+$0xFFFFFFF0];
	v18 =	vadd.f32 v20, v22;
	v19 =	vmul.f32 v19, v21  }
0xd4: {  	v20 =	vld [tilespmem:s8+$0xFFFFFFF0]  }
0xd5: {  	v21 =	vld [tilespmem:s4+$0x0]  }
0xd6: {  	v22 =	vld [tilespmem:s8+$0x0]  }
0xd7: {  	v48 =	vld [tilespmem:s4+$0x10];
	v13 =	vmul.f32 v17, v13  }
0xd8: {  	v23 =	vld [tilespmem:s8+$0x10]  }
0xd9: {  	v15 =	vmul.f32 v20, v15;
	v13 =	vadd.f32 $0.0e+00, v13;
	_ =	sdelay $0x1  }
0xda: {  	v49 =	vmul.f32 v22, v21;
	v13 =	vadd.f32 v15, v13  }
0xdb: {  	v18 =	vadd.f32 v19, v18;
	v10 =	vmul.f32 v12, v10  }
0xdc: {  	v51 =	vmul.f32 v23, v48;
	v50 =	vadd.f32 v49, v13  }
0xdd: {  	v10 =	vadd.f32 v10, v18  }
0xde: {  	v12 =	vadd.f32 v51, v50  }
0xdf: {  	v52 =	vperm.xlane v10, v2  }
0xe0: {  	v11 =	vadd.f32 v11, v16;
	v53 =	vperm.xlane v12, v2  }
0xe1: {  	v10 =	vadd.f32 v10, v52  }
0xe2: {  	v16 =	vperm.xlane v11, v3;
	v12 =	vadd.f32 v12, v53  }
0xe3: {  	v13 =	vperm.xlane v10, v3  }
0xe4: {  	v11 =	vadd.f32 v11, v16;
	v15 =	vperm.xlane v12, v3  }
0xe5: {  	v10 =	vadd.f32 v10, v13  }
0xe6: {  	v16 =	vperm.xlane v11, v4;
	v12 =	vadd.f32 v12, v15  }
0xe7: {  	v9 =	vadd.f32 v9, v14;
	v13 =	vperm.xlane v10, v4  }
0xe8: {  	v54 =	vmov s0;
	v11 =	vadd.f32 v11, v16;
	v15 =	vperm.xlane v12, v4  }
0xe9: {  	v56 =	vmov s30;
	v14 =	vperm.xlane v9, v5;
	v10 =	vadd.f32 v10, v13  }
0xea: {  	v59 =	vmov s31;
	v55 =	vperm.xlane v11, v5;
	v12 =	vadd.f32 v12, v15  }
0xeb: {  	v60 =	vmov s29;
	v9 =	vadd.f32 v9, v14;
	v57 =	vperm.xlane v10, v5  }
0xec: {  	vm0 =	veq.s32 v54, v6;
	v11 =	vadd.f32 v11, v55;
	v58 =	vperm.xlane v12, v5  }
0xed: {  	vm13 =	veq.s32 v56, v6;
	v8 =	vsel vm0, v9, v8;
	v10 =	vadd.f32 v10, v57  }
0xee: {  	vm14 =	veq.s32 v59, v6;
	v8 =	vsel vm13, v11, v8;
	v9 =	vadd.f32 v12, v58  }
0xef: {  	vm15 =	veq.s32 v60, v6;
	v8 =	vsel vm14, v10, v8  }
0xf0: {  	s31 =	sshll.u32 s28, $0x4;
	v8 =	vsel vm15, v9, v8  }
0xf1: {  	[tilespmem:v7+s31+$0x2800 ss:$0x1] =	vst.idx.msk $0xffff, v8  }
0xf2: {  	v61 =	vld.idx.msk [tilespmem:v7+s31+$0x0 ss:$0x1], $0xffff;
	_ =	sdelay $0x1  }
0xf3: {  	v62 =	vld [tilespmem:s31+$0x9580]  }
0xf4: {  	v63 =	vld [tilespmem:s31+$0x9500]  }
0xf5: {  	s28 =	sadd.s32 $0x1, s28  }
0xf6: {  	p0 =	sne.s32 s28, $0x4;
	v8 =	vmul.f32 v61, v8  }
.Ltmp4:
0xf7: {  	_ = 	snop;
	(pc) =	sbr.rel @p0 .LBB2_7-.Ltmp4, $4  }
0xf8: {  	v9 =	vmul.f32 v62, v8  }
0xf9: {  	v8 =	vmul.f32 v63, v8  }
0xfa: {  	[tilespmem:s31+$0x9680] =	vst v9  }
0xfb: {  	s25 =	sadd.s32 $0x800, s25;
	s26 =	sadd.s32 $0x800, s26;
	[tilespmem:s31+$0x9700] =	vst v8  }
0xfc: {  	[spmem:s7] =	stream.indirect.scatter.add.f32 [tilespmem:s22], [sflag:$0x1], $0x1, s15, s17, $0xb8;
	[tilespmem:$0xA210] =	vst v63  }
0xfd: {  	s24 =	sadd.s32 $0x1, s24;
	_ =	swait.ge [sflag:s13], $0x40  }
0xfe: {  	p0 =	sne.s32 s24, $0xA0;
	[sflag:s13] =	ssyncset.done $0x0  }
.Ltmp5:
0xff: {  	[sflag:s13] =	ssyncadd.s32 $0xFFFFFFC0;
	(pc) =	sbr.rel @p0 .LBB2_6-.Ltmp5, $4  }
0x100: {  	[spmem:s7] =	stream.indirect.scatter.add.f32 [tilespmem:s23], [sflag:$0x1], $0x1, s16, s17, $0xb8;
	[tilespmem:$0xA210] =	vst v63  }
0x101: {  	_ =	swait.ge [sflag:s13], $0x40  }
0x102: {  	[sflag:s13] =	ssyncset.done $0x0  }
0x103: {  	[sflag:s13] =	ssyncadd.s32 $0xFFFFFFC0  }
0x104: {  	[bflag:$0x0] =	sbarrier.arrive $0xFFFF;
	s0 =	simm.s32 $0x9000;
	s31 =	simm.s32 $0x1  }
0x105: {  	[tilespmem:s0], [sflag:$0x1] =	stream.linear.gather [spmem:s11], $0x280, $0x38;
	[tilespmem:$0xA210] =	vst v63  }
0x106: {  	_ =	swait.ge [sflag:s31], $0x280  }
0x107: {  	[sflag:s31] =	ssyncset.done $0x0  }
0x108: {  	s0 =	simm.s32 $0x0;
	[sflag:s31] =	ssyncadd.s32 $0xFFFFFD80  }
0x109: {  	v2 =	vld [tilespmem:s0+$0x9280];
	_ =	sdelay $0x4  }
0x10a: {  	v4 =	vmul.f32 $-5.000000000e-01, v2  }
0x10b: {  	v3 =	vld [tilespmem:s0+$0x9000]  }
0x10c: {  	s1 =	simm.s32 $0x10;
	s4 =	simm.s32 $0x80;
	v4 =	vmul.f32 v4, v2  }
.LBB2_12:
0x10d: {  	p0 =	sne.s32 s4, $0x9C0;
	v5 =	vld [tilespmem:s1+$0x9280]  }
0x10e: {  	v2 =	vmul.f32 v4, v2;
	_ =	sdelay $0x1  }
.Ltmp6:
0x10f: {  	v3 =	vmul.f32 v2, v3;
	(pc) =	sbr.rel @p0 .LBB2_12-.Ltmp6, $4  }
0x110: {  	_ = 	snop  }
0x111: {  	v4 =	vmul.f32 $-5.000000000e-01, v5;
	[tilespmem:s0+$0x9000] =	vst v3;
	v2 =	vmov v5;
	s0 =	smov.u32 s1  }
0x112: {  	v3 =	vld [tilespmem:s0+$0x9000]  }
0x113: {  	s1 =	sshra.s32 s4, $0x2;
	s4 =	sadd.s32 $0x40, s4;
	v4 =	vmul.f32 v4, v2  }
0x114: {  	v5 =	vld [tilespmem:s1+$0x9280]  }
0x115: {  	v2 =	vmul.f32 v4, v2;
	_ =	sdelay $0x1  }
0x116: {  	v2 =	vmul.f32 v2, v3;
	_ =	sdelay $0x1  }
0x117: {  	v3 =	vmul.f32 $-5.000000000e-01, v5;
	[tilespmem:s0+$0x9000] =	vst v2  }
0x118: {  	v2 =	vld [tilespmem:s1+$0x9000]  }
0x119: {  	v3 =	vmul.f32 v3, v5;
	_ =	sdelay $0x1  }
0x11a: {  	v3 =	vmul.f32 v3, v5;
	_ =	sdelay $0x1  }
0x11b: {  	v2 =	vmul.f32 v3, v2  }
0x11c: {  	s28 =	simm.s32 $0x9000;
	s20 =	stileid.u32  }
0x11d: {  	s29 =	rddreg [dreg:$0x8];
	s7 =	simm.s32 $0x1;
	s8 =	smul.u32 $0xA00, s20;
	[tilespmem:s1+$0x9000] =	vst v2  }
0x11e: {  	[spmem:s29] =	stream.linear.scatter [tilespmem:s28], [sflag:$0x1], $0x280, $0x38;
	[tilespmem:$0xA210] =	vst v63  }
0x11f: {  	s9 =	simm.s32 $0x0;
	s30 =	sadd.s32 $0x0, s8;
	_ =	swait.ge [sflag:s7], $0x280  }
0x120: {  	s31 =	sand.u32 $0x70, s9;
	s0 =	sand.u32 $0x1FF80, s30;
	[sflag:s7] =	ssyncset.done $0x0  }
0x121: {  	s0 =	sor.u32 s31, s0;
	[sflag:s7] =	ssyncadd.s32 $0xFFFFFD80  }
0x122: {  	s10 =	simm.s32 $0x9780;
	s1 =	sadd.s32 s5, s0;
	[bflag:$0x0] =	sbarrier.arrive $0xFFFF  }
0x123: {  	v2 =	vld [tilespmem:$0x9880];
	[tilespmem:s10], [sflag:$0x1] =	stream.linear.gather [hbm4b:s1+s9], $0x80, $0x38  }
0x124: {  	_ =	swait.ge [sflag:s7], $0x80  }
0x125: {  	[sflag:s7] =	ssyncset.done $0x0  }
0x126: {  	s11 =	simm.s32 $0x9800;
	s0 =	sadd.s32 s6, s0;
	[sflag:s7] =	ssyncadd.s32 $0xFFFFFF80  }
0x127: {  	[tilespmem:s11], [sflag:$0x1] =	stream.linear.gather [hbm4b:s0+s9], $0x80, $0x38;
	[tilespmem:$0xA210] =	vst v63  }
0x128: {  	_ =	swait.ge [sflag:s7], $0x80  }
0x129: {  	[sflag:s7] =	ssyncset.done $0x0  }
0x12a: {  	s12 =	simm.s32 $0x40;
	s13 =	simm.s32 $0x9600;
	[sflag:s7] =	ssyncadd.s32 $0xFFFFFF80  }
0x12b: {  	[tilespmem:s13], [sflag:$0x1] =	stream.indirect.gather [spmem:s3], $0x1, s11, s12, $0xb8;
	[tilespmem:$0xA210] =	vst v63  }
0x12c: {  	_ =	swait.ge [sflag:s7], $0x40  }
0x12d: {  	[sflag:s7] =	ssyncset.done $0x0  }
0x12e: {  	s14 =	simm.s32 $0x9500;
	[sflag:s7] =	ssyncadd.s32 $0xFFFFFFC0  }
0x12f: {  	[tilespmem:s14], [sflag:$0x1] =	stream.indirect.gather [spmem:s2], $0x1, s10, s12, $0xb8;
	[tilespmem:$0xA210] =	vst v63  }
0x130: {  	_ =	swait.ge [sflag:s7], $0x40  }
0x131: {  	[sflag:s7] =	ssyncset.done $0x0  }
0x132: {  	s15 =	simm.s32 $0x9580;
	[sflag:s7] =	ssyncadd.s32 $0xFFFFFFC0  }
0x133: {  	[tilespmem:s15], [sflag:$0x1] =	stream.indirect.gather [spmem:s2], $0x1, s11, s12, $0xb8;
	[tilespmem:$0xA210] =	vst v63  }
0x134: {  	_ =	swait.ge [sflag:s7], $0x40  }
0x135: {  	[sflag:s7] =	ssyncset.done $0x0  }
0x136: {  	s16 =	simm.s32 $0x2820;
	[sflag:s7] =	ssyncadd.s32 $0xFFFFFFC0  }
0x137: {  	v3 =	vld [tilespmem:s16+$0xFFFFFFE0]  }
0x138: {  	v54 =	vld [tilespmem:$0x9500];
	_ =	sdelay $0x1  }
0x139: {  	v55 =	vld [tilespmem:$0x9580];
	_ =	sdelay $0x1  }
0x13a: {  	v6 =	vld [tilespmem:$0x9600]  }
0x13b: {  	v0 =	vadd.f32 v1, v0;
	v1 =	vmul.f32 v54, v3;
	_ =	sdelay $0x1  }
0x13c: {  	v0 =	vsub.f32 v2, v0;
	v1 =	vmul.f32 v55, v1;
	_ =	sdelay $0x1  }
0x13d: {  	s17 =	simm.s32 $0x20;
	v0 =	vadd.f32 v0, v0;
	v1 =	vadd.f32 v6, v1  }
0x13e: {  	v2 =	vld [tilespmem:s17+$0xFFFFFFE0]  }
0x13f: {  	v1 =	vadd.f32 v1, v0;
	_ =	sdelay $0x1  }
0x140: {  	v1 =	vmul.f32 $4.999999890e-03, v1;
	_ =	sdelay $0x1  }
0x141: {  	v1 =	vadd.f32 v1, v2;
	_ =	sdelay $0x1  }
0x142: {  	v56 =	vmax.f32 v1, $0.0e+00  }
0x143: {  	v4 =	vmin.f32 v56, $1.000000000e+00  }
0x144: {  	[tilespmem:s17+$0xFFFFFFE0] =	vst v4  }
0x145: {  	v4 =	vld [tilespmem:s16+$0xFFFFFFF0]  }
0x146: {  	v57 =	vld [tilespmem:$0x9510];
	_ =	sdelay $0x1  }
0x147: {  	v58 =	vld [tilespmem:$0x9590];
	_ =	sdelay $0x1  }
0x148: {  	v7 =	vld [tilespmem:$0x9610]  }
0x149: {  	v4 =	vmul.f32 v57, v4;
	_ =	sdelay $0x1  }
0x14a: {  	v4 =	vmul.f32 v58, v4;
	_ =	sdelay $0x1  }
0x14b: {  	v4 =	vadd.f32 v7, v4  }
0x14c: {  	v2 =	vld [tilespmem:s17+$0xFFFFFFF0]  }
0x14d: {  	v4 =	vadd.f32 v4, v0;
	_ =	sdelay $0x1  }
0x14e: {  	v4 =	vmul.f32 $4.999999890e-03, v4;
	_ =	sdelay $0x1  }
0x14f: {  	v2 =	vadd.f32 v4, v2;
	_ =	sdelay $0x1  }
0x150: {  	v2 =	vmax.f32 v2, $0.0e+00  }
0x151: {  	v2 =	vmin.f32 v2, $1.000000000e+00  }
0x152: {  	[tilespmem:s17+$0xFFFFFFF0] =	vst v2  }
0x153: {  	v2 =	vld [tilespmem:s16+$0x0]  }
0x154: {  	v59 =	vld [tilespmem:$0x9520];
	_ =	sdelay $0x1  }
0x155: {  	v60 =	vld [tilespmem:$0x95A0];
	_ =	sdelay $0x1  }
0x156: {  	v61 =	vld [tilespmem:$0x9620]  }
0x157: {  	v2 =	vmul.f32 v59, v2;
	_ =	sdelay $0x1  }
0x158: {  	v2 =	vmul.f32 v60, v2;
	_ =	sdelay $0x1  }
0x159: {  	v2 =	vadd.f32 v61, v2  }
0x15a: {  	v3 =	vld [tilespmem:s17+$0x0]  }
0x15b: {  	v2 =	vadd.f32 v2, v0;
	_ =	sdelay $0x1  }
0x15c: {  	v2 =	vmul.f32 $4.999999890e-03, v2;
	_ =	sdelay $0x1  }
0x15d: {  	v2 =	vadd.f32 v2, v3;
	_ =	sdelay $0x1  }
0x15e: {  	v2 =	vmax.f32 v2, $0.0e+00  }
0x15f: {  	v2 =	vmin.f32 v2, $1.000000000e+00  }
0x160: {  	[tilespmem:s17+$0x0] =	vst v2  }
0x161: {  	v2 =	vld [tilespmem:s16+$0x10]  }
0x162: {  	v3 =	vld [tilespmem:$0x9530];
	_ =	sdelay $0x1  }
0x163: {  	v62 =	vld [tilespmem:$0x95B0];
	_ =	sdelay $0x1  }
0x164: {  	v63 =	vld [tilespmem:$0x9630]  }
0x165: {  	v2 =	vmul.f32 v3, v2;
	_ =	sdelay $0x1  }
0x166: {  	v2 =	vmul.f32 v62, v2;
	_ =	sdelay $0x1  }
0x167: {  	v2 =	vadd.f32 v63, v2  }
0x168: {  	v1 =	vld [tilespmem:s17+$0x10]  }
0x169: {  	v2 =	vadd.f32 v2, v0;
	_ =	sdelay $0x1  }
0x16a: {  	s19 =	simm.s32 $0x10;
	s18 =	simm.s32 $0x20;
	v2 =	vmul.f32 $4.999999890e-03, v2  }
.LBB2_14:
0x16b: {  	p0 =	sne.s32 s19, $0x9F0;
	s16 =	sadd.s32 $0x40, s16;
	s17 =	sadd.s32 $0x40, s17  }
0x16c: {  	s0 =	sadd.s32 s19, s8;
	s1 =	smov.u32 s19;
	s19 =	sadd.s32 $0x10, s19;
	v1 =	vadd.f32 v2, v1  }
0x16d: {  	s0 =	sand.u32 $0x1FF80, s0;
	s1 =	sand.u32 $0x70, s1  }
0x16e: {  	s0 =	sor.u32 s1, s0;
	v1 =	vmax.f32 v1, $0.0e+00  }
0x16f: {  	s1 =	sadd.s32 s5, s0;
	v1 =	vmin.f32 v1, $1.000000000e+00  }
0x170: {  	[tilespmem:s18+$0x10] =	vst v1;
	s18 =	smov.u32 s17  }
0x171: {  	[tilespmem:s10], [sflag:$0x1] =	stream.linear.gather [hbm4b:s1+s9], $0x80, $0x38;
	[tilespmem:$0xA210] =	vst v63  }
0x172: {  	_ =	swait.ge [sflag:s7], $0x80  }
0x173: {  	[sflag:s7] =	ssyncset.done $0x0  }
0x174: {  	s0 =	sadd.s32 s6, s0;
	[sflag:s7] =	ssyncadd.s32 $0xFFFFFF80  }
0x175: {  	[tilespmem:s11], [sflag:$0x1] =	stream.linear.gather [hbm4b:s0+s9], $0x80, $0x38;
	[tilespmem:$0xA210] =	vst v63  }
0x176: {  	_ =	swait.ge [sflag:s7], $0x80  }
0x177: {  	[sflag:s7] =	ssyncset.done $0x0  }
0x178: {  	[sflag:s7] =	ssyncadd.s32 $0xFFFFFF80  }
0x179: {  	[tilespmem:s13], [sflag:$0x1] =	stream.indirect.gather [spmem:s3], $0x1, s11, s12, $0xb8;
	[tilespmem:$0xA210] =	vst v63  }
0x17a: {  	_ =	swait.ge [sflag:s7], $0x40  }
0x17b: {  	[sflag:s7] =	ssyncset.done $0x0  }
0x17c: {  	[sflag:s7] =	ssyncadd.s32 $0xFFFFFFC0  }
0x17d: {  	[tilespmem:s14], [sflag:$0x1] =	stream.indirect.gather [spmem:s2], $0x1, s10, s12, $0xb8;
	[tilespmem:$0xA210] =	vst v63  }
0x17e: {  	_ =	swait.ge [sflag:s7], $0x40  }
0x17f: {  	[sflag:s7] =	ssyncset.done $0x0  }
0x180: {  	[sflag:s7] =	ssyncadd.s32 $0xFFFFFFC0  }
0x181: {  	[tilespmem:s15], [sflag:$0x1] =	stream.indirect.gather [spmem:s2], $0x1, s11, s12, $0xb8;
	[tilespmem:$0xA210] =	vst v63  }
0x182: {  	_ =	swait.ge [sflag:s7], $0x40  }
0x183: {  	[sflag:s7] =	ssyncset.done $0x0  }
0x184: {  	[sflag:s7] =	ssyncadd.s32 $0xFFFFFFC0  }
0x185: {  	v1 =	vld [tilespmem:s16+$0xFFFFFFE0]  }
0x186: {  	v2 =	vld [tilespmem:$0x9500]  }
0x187: {  	v3 =	vld [tilespmem:s17+$0xFFFFFFE0]  }
0x188: {  	v4 =	vld [tilespmem:$0x9580]  }
0x189: {  	v5 =	vld [tilespmem:s17+$0xFFFFFFF0]  }
0x18a: {  	v6 =	vld [tilespmem:$0x9600]  }
0x18b: {  	v2 =	vmul.f32 v2, v1;
	v7 =	vld [tilespmem:s17+$0x0]  }
0x18c: {  	v1 =	vld [tilespmem:s17+$0x10]  }
0x18d: {  	v2 =	vmul.f32 v4, v2;
	_ =	sdelay $0x1  }
0x18e: {  	v2 =	vadd.f32 v6, v2;
	_ =	sdelay $0x1  }
0x18f: {  	v2 =	vadd.f32 v2, v0;
	_ =	sdelay $0x1  }
0x190: {  	v2 =	vmul.f32 $4.999999890e-03, v2;
	_ =	sdelay $0x1  }
0x191: {  	v2 =	vadd.f32 v2, v3;
	_ =	sdelay $0x1  }
0x192: {  	v2 =	vmax.f32 v2, $0.0e+00  }
0x193: {  	v2 =	vmin.f32 v2, $1.000000000e+00  }
0x194: {  	[tilespmem:s17+$0xFFFFFFE0] =	vst v2  }
0x195: {  	v2 =	vld [tilespmem:s16+$0xFFFFFFF0]  }
0x196: {  	v3 =	vld [tilespmem:$0x9510];
	_ =	sdelay $0x1  }
0x197: {  	v4 =	vld [tilespmem:$0x9590];
	_ =	sdelay $0x1  }
0x198: {  	v6 =	vld [tilespmem:$0x9610]  }
0x199: {  	v2 =	vmul.f32 v3, v2;
	_ =	sdelay $0x1  }
0x19a: {  	v2 =	vmul.f32 v4, v2;
	_ =	sdelay $0x1  }
0x19b: {  	v2 =	vadd.f32 v6, v2;
	_ =	sdelay $0x1  }
0x19c: {  	v2 =	vadd.f32 v2, v0;
	_ =	sdelay $0x1  }
0x19d: {  	v2 =	vmul.f32 $4.999999890e-03, v2;
	_ =	sdelay $0x1  }
0x19e: {  	v2 =	vadd.f32 v2, v5;
	_ =	sdelay $0x1  }
0x19f: {  	v2 =	vmax.f32 v2, $0.0e+00  }
0x1a0: {  	v2 =	vmin.f32 v2, $1.000000000e+00  }
0x1a1: {  	[tilespmem:s17+$0xFFFFFFF0] =	vst v2  }
0x1a2: {  	v2 =	vld [tilespmem:s16+$0x0]  }
0x1a3: {  	v3 =	vld [tilespmem:$0x9520]  }
0x1a4: {  	v4 =	vld [tilespmem:$0x95A0]  }
0x1a5: {  	v5 =	vld [tilespmem:$0x9620];
	_ =	sdelay $0x2  }
0x1a6: {  	v2 =	vmul.f32 v3, v2;
	_ =	sdelay $0x1  }
0x1a7: {  	v2 =	vmul.f32 v4, v2;
	_ =	sdelay $0x1  }
0x1a8: {  	v2 =	vadd.f32 v5, v2;
	_ =	sdelay $0x1  }
0x1a9: {  	v2 =	vadd.f32 v2, v0;
	_ =	sdelay $0x1  }
0x1aa: {  	v2 =	vmul.f32 $4.999999890e-03, v2;
	_ =	sdelay $0x1  }
0x1ab: {  	v2 =	vadd.f32 v2, v7;
	_ =	sdelay $0x1  }
0x1ac: {  	v2 =	vmax.f32 v2, $0.0e+00  }
0x1ad: {  	v2 =	vmin.f32 v2, $1.000000000e+00  }
0x1ae: {  	[tilespmem:s17+$0x0] =	vst v2  }
0x1af: {  	v2 =	vld [tilespmem:s16+$0x10]  }
0x1b0: {  	v3 =	vld [tilespmem:$0x9530]  }
0x1b1: {  	v4 =	vld [tilespmem:$0x95B0]  }
0x1b2: {  	v5 =	vld [tilespmem:$0x9630];
	_ =	sdelay $0x2  }
0x1b3: {  	v2 =	vmul.f32 v3, v2;
	_ =	sdelay $0x1  }
0x1b4: {  	v2 =	vmul.f32 v4, v2;
	_ =	sdelay $0x1  }
.Ltmp7:
0x1b5: {  	v2 =	vadd.f32 v5, v2;
	(pc) =	sbr.rel @p0 .LBB2_14-.Ltmp7, $3  }
0x1b6: {  	_ = 	snop  }
0x1b7: {  	v2 =	vadd.f32 v2, v0;
	_ =	sdelay $0x1  }
0x1b8: {  	v2 =	vmul.f32 $4.999999890e-03, v2  }
0x1b9: {  	_ = 	snop  }
0x1ba: {  	v0 =	vadd.f32 v2, v1;
	_ =	sdelay $0x1  }
0x1bb: {  	v0 =	vmax.f32 v0, $0.0e+00  }
0x1bc: {  	v0 =	vmin.f32 v0, $1.000000000e+00  }
0x1bd: {  	v63 =	vimm.f32 $0.0e+00;
	[tilespmem:s18+$0x10] =	vst v0  }
0x1be: {  	[tilespmem:$0x2710] =	vst v63  }
0x1bf: {  	[tilespmem:$0x2720] =	vst v63  }
0x1c0: {  	[tilespmem:$0x2730] =	vst v63  }
0x1c1: {  	[tilespmem:$0x2740] =	vst v63  }
0x1c2: {  	[tilespmem:$0x2750] =	vst v63  }
0x1c3: {  	[tilespmem:$0x2760] =	vst v63  }
0x1c4: {  	[tilespmem:$0x2770] =	vst v63  }
0x1c5: {  	[tilespmem:$0x2780] =	vst v63  }
0x1c6: {  	[tilespmem:$0x2790] =	vst v63  }
0x1c7: {  	[tilespmem:$0x27A0] =	vst v63  }
0x1c8: {  	[tilespmem:$0x27B0] =	vst v63  }
0x1c9: {  	[tilespmem:$0x27C0] =	vst v63  }
0x1ca: {  	[tilespmem:$0x27D0] =	vst v63  }
0x1cb: {  	[tilespmem:$0x27E0] =	vst v63  }
0x1cc: {  	s0 =	simm.s32 $0x0;
	s1 =	rddreg [dreg:$0x7];
	s31 =	simm.s32 $0x1;
	[tilespmem:$0x27F0] =	vst v63  }
0x1cd: {  	[hbm4b:s1+s0] =	stream.linear.scatter [tilespmem:s0], [sflag:$0x1], $0x2800, $0x38;
	[tilespmem:$0xA210] =	vst v63  }
0x1ce: {  	_ =	swait.ge [sflag:s31], $0x2800  }
0x1cf: {  	[sflag:s31] =	ssyncset.done $0x0  }
0x1d0: {  	[sflag:s31] =	ssyncadd.s32 $0xFFFFD800  }
0x1d1: {  	s6 =	rddreg [dreg:$0x6]  }
.LBB2_16:
0x1d2: {  	_ =	sfence.sel $0x180000  }
0x1d3: {  	[bflag:$0x0] =	sbarrier.arrive $0xFFFF  }
0x1d4: {  	p0 =	sne.s32 s20, $0x0;
	_ =	strace $0x9000004A  }
0x1d5: {  	s0 =	sadd.s32 @!p0 $0x100000, s6;
	[bflag:$0x2] =	sbarrier.arrive $0xFFFF  }
0x1d6: {  	[sflag:s0] =	ssyncadd.tile.s32 @!p0 $0x1;
	_ =	shalt  }
.Lfunc_end2:
_tile_overlayer_lowered:
.L_overlay_start_2:
0x1d7: {  	(tag) =	ssettag $0x2  }
0x1d8: {  	s0 =	rddreg [dreg:$0x0];
	s2 =	stileid.u32  }
0x1d9: {  	s1 =	rddreg [dreg:$0x1];
	p0 =	sne.s32 s2, $0x0  }
0x1da: {  	s3 =	rddreg [dreg:$0x2];
	[bflag:$0x3] =	sbarrier.arrive $0xFFFF;
	s2 =	simm.s32 @!p0 $0x1C01  }
0x1db: {  	[timem:s3], [sflag:s2] =	dma.local @!p0 [hbm:s0], s1  }
0x1dc: {  	s0 =	simm.s32 @!p0 $0x1  }
0x1dd: {  	_ =	swait.ge @!p0 [sflag:s0], s1  }
0x1de: {  	s1 =	ssub.s32 @!p0 $0x0, s1;
	[sflag:s0] =	ssyncset.done @!p0 $0x0  }
0x1df: {  	[sflag:s0] =	ssyncadd.s32 @!p0 s1  }
0x1e0: {  	[bflag:$0x3] =	sbarrier.arrive $0xFFFF  }
0x1e1: {  	_ =	shalt  }

</sc_bundles>
